<compile_context>
chip_gen: v7x
topology: tpu7x:2x2x1
jax: 0.10.2.dev20260603
libtpu: 0.0.44.dev20260713+nightly
codegen_flags: <defaults>
</compile_context>

<pallas_src>
import functools

import jax
import jax.numpy as jnp
from jax import lax
from jax.experimental import pallas as pl
from jax.experimental.pallas import tpu as pltpu
from jax.experimental.pallas import tpu_sc as plsc

CUTOFF = 10.0
N_NODES = 10000
N_EDGES = 320000
HIDDEN = 128
NUM_GAUSS = 50

NC = 2
NS = 16
CH = 40
NH = 2
EH = N_EDGES // NH
EPC = EH // NC
EPT = EPC // NS
CPT = EPT // CH
NPAD = 10240
RPT = NPAD // NS
EB = 6400
EBR = EB // 128
FBH = EH // EB
NB = 2000


def _ssp(x):
    return jnp.log(0.5 + 0.5 * jnp.exp(x))



def _h1_body(h_ref, w_ref, b_ref, o_ref):
    o_ref[...] = (
        jnp.dot(h_ref[...].astype(jnp.bfloat16), w_ref[...],
                preferred_element_type=jnp.float32)
        + b_ref[...]
    )


def _filter_body(ea_ref, ew_ref, wm1_ref, bm1_ref, wm2_ref, bm2_ref, o_ref):
    x = jnp.dot(ea_ref[...].astype(jnp.bfloat16), wm1_ref[...],
                preferred_element_type=jnp.float32)
    x = _ssp(x + bm1_ref[...])
    x = jnp.dot(x.astype(jnp.bfloat16), wm2_ref[...],
                preferred_element_type=jnp.float32)
    x = _ssp(x + bm2_ref[...])
    phi = ew_ref[...].reshape(EBR, 128) * (jnp.pi / (2.0 * CUTOFF))
    u = phi * phi
    cphi = 0.999999953464 + u * (
        -0.499999053455 + u * (0.0416635846769 + u * (
            -0.0013853704264 + u * 0.00002315393167)))
    cenv = cphi * cphi
    prod = x.reshape(EBR, 128, HIDDEN) * cenv[:, :, None]
    o_ref[...] = prod.reshape(EB, HIDDEN)


def _out_body(pa_ref, pb_ref, w1_ref, b1_ref, w2_ref, b2_ref, o_ref):
    agg = (pa_ref[0] + pa_ref[1] + pb_ref[0] + pb_ref[1]).astype(jnp.bfloat16)
    x = _ssp(
        jnp.dot(agg, w1_ref[...], preferred_element_type=jnp.float32)
        + b1_ref[...]
    )
    o_ref[...] = (
        jnp.dot(x.astype(jnp.bfloat16), w2_ref[...],
                preferred_element_type=jnp.float32)
        + b2_ref[...]
    )


def _rep(shape):
    return pl.BlockSpec(shape, lambda i: (0,) * len(shape))


_h1_call = pl.pallas_call(
    _h1_body,
    grid=(N_NODES // NB,),
    in_specs=[
        pl.BlockSpec((NB, HIDDEN), lambda i: (i, 0)),
        _rep((HIDDEN, HIDDEN)),
        _rep((1, HIDDEN)),
    ],
    out_specs=pl.BlockSpec((NB, HIDDEN), lambda i: (i, 0)),
    out_shape=jax.ShapeDtypeStruct((N_NODES, HIDDEN), jnp.float32),
)


def _make_filter(off):
    return pl.pallas_call(
        _filter_body,
        grid=(FBH,),
        in_specs=[
            pl.BlockSpec((EB, NUM_GAUSS), lambda i, o=off: (i + o, 0)),
            pl.BlockSpec((1, 1, EB), lambda i, o=off: (i + o, 0, 0)),
            _rep((NUM_GAUSS, HIDDEN)),
            _rep((1, HIDDEN)),
            _rep((HIDDEN, HIDDEN)),
            _rep((1, HIDDEN)),
        ],
        out_specs=pl.BlockSpec((EB, HIDDEN), lambda i: (i, 0)),
        out_shape=jax.ShapeDtypeStruct((EH, HIDDEN), jnp.float32),
    )


_filter_a = _make_filter(0)
_filter_b = _make_filter(FBH)

_out_call = pl.pallas_call(
    _out_body,
    grid=(N_NODES // NB,),
    in_specs=[
        pl.BlockSpec((NC, NB, HIDDEN), lambda i: (0, i, 0)),
        pl.BlockSpec((NC, NB, HIDDEN), lambda i: (0, i, 0)),
        _rep((HIDDEN, HIDDEN)),
        _rep((1, HIDDEN)),
        _rep((HIDDEN, HIDDEN)),
        _rep((1, HIDDEN)),
    ],
    out_specs=pl.BlockSpec((NB, HIDDEN), lambda i: (i, 0)),
    out_shape=jax.ShapeDtypeStruct((N_NODES, HIDDEN), jnp.float32),
)



def _make_sc_body(eoff):
    def _sc_body(h1_hbm, wf_hbm, src_hbm, dst_hbm, zeros_hbm, out_hbm,
                 src_all,
                 dst_idx0, dst_idx1, rows0, rows1, wf0, wf1, agg,
                 gsem0, gsem1, wsem0, wsem1, dsem0, dsem1, ssem0, ssem1):
        c = lax.axis_index("c")
        s = lax.axis_index("s")
        lb = c * EPC + s * EPT
        tb = eoff + lb

        pltpu.sync_copy(zeros_hbm, agg.at[pl.ds(s * RPT, RPT)])
        pltpu.sync_copy(src_hbm.at[pl.ds(tb, EPT)], src_all)
        plsc.subcore_barrier()

        bufs = ((dst_idx0, rows0, wf0, gsem0, wsem0, dsem0, ssem0),
                (dst_idx1, rows1, wf1, gsem1, wsem1, dsem1, ssem1))

        def issue(b, k, first=False):
            dstb, gb, wb, gsem, wsem, dsem, ssem = bufs[b]

            @pl.when(k < CPT)
            def _():
                if not first:
                    @pl.when(k >= 2)
                    def _():
                        pltpu.make_async_copy(gb, agg.at[dstb], ssem).wait()
                pltpu.async_copy(
                    dst_hbm.at[pl.ds(tb + k * CH, CH)], dstb, dsem)
                pltpu.async_copy(
                    h1_hbm.at[src_all.at[pl.ds(k * CH, CH)]], gb, gsem)
                pltpu.async_copy(
                    wf_hbm.at[pl.ds(lb + k * CH, CH)], wb, wsem)

        def finish(b, k):
            dstb, gb, wb, gsem, wsem, dsem, ssem = bufs[b]

            @pl.when(k < CPT)
            def _():
                pltpu.make_async_copy(
                    h1_hbm.at[src_all.at[pl.ds(k * CH, CH)]], gb, gsem).wait()
                pltpu.make_async_copy(
                    wf_hbm.at[pl.ds(lb + k * CH, CH)], wb, wsem).wait()

                def mul_row(i, cc):
                    for j in range(HIDDEN // 16):
                        sl = pl.ds(j * 16, 16)
                        gb[i, sl] = gb[i, sl] * wb[i, sl]
                    return cc

                lax.fori_loop(0, CH, mul_row, 0)
                pltpu.make_async_copy(
                    dst_hbm.at[pl.ds(tb + k * CH, CH)], dstb, dsem).wait()
                pltpu.async_copy(gb, agg.at[dstb], ssem, add=True)

        issue(0, 0, first=True)

        def body(j, carry):
            k0 = 2 * j
            k1 = k0 + 1
            issue(1, k1)
            finish(0, k0)
            issue(0, k0 + 2)
            finish(1, k1)
            return carry

        lax.fori_loop(0, (CPT + 1) // 2, body, 0)

        pltpu.make_async_copy(rows0, agg.at[dst_idx0], ssem0).wait()
        pltpu.make_async_copy(rows1, agg.at[dst_idx1], ssem1).wait()
        plsc.subcore_barrier()
        pltpu.sync_copy(
            agg.at[pl.ds(s * RPT, RPT)],
            out_hbm.at[pl.ds(c * NPAD + s * RPT, RPT)],
        )

    return _sc_body


def _make_sc(eoff):
    return functools.partial(
        pl.kernel,
        out_type=jax.ShapeDtypeStruct((NC * NPAD, HIDDEN), jnp.float32),
        mesh=plsc.VectorSubcoreMesh(core_axis_name="c", subcore_axis_name="s"),
        scratch_types=[
            pltpu.VMEM((EPT,), jnp.int32),
            pltpu.VMEM((CH,), jnp.int32),
            pltpu.VMEM((CH,), jnp.int32),
            pltpu.VMEM((CH, HIDDEN), jnp.float32),
            pltpu.VMEM((CH, HIDDEN), jnp.float32),
            pltpu.VMEM((CH, HIDDEN), jnp.float32),
            pltpu.VMEM((CH, HIDDEN), jnp.float32),
            pltpu.VMEM_SHARED((NPAD, HIDDEN), jnp.float32),
            pltpu.SemaphoreType.DMA,
            pltpu.SemaphoreType.DMA,
            pltpu.SemaphoreType.DMA,
            pltpu.SemaphoreType.DMA,
            pltpu.SemaphoreType.DMA,
            pltpu.SemaphoreType.DMA,
            pltpu.SemaphoreType.DMA,
            pltpu.SemaphoreType.DMA,
        ],
    )(_make_sc_body(eoff))


_sc_a = _make_sc(0)
_sc_b = _make_sc(EH)



def kernel(h, edge_index, edge_weight, edge_attr,
           W_aw, b_aw, W_m1, b_m1, W_m2, b_m2, W_o1, b_o1, W_o2, b_o2):
    ei = edge_index.astype(jnp.int32)
    src, dst = ei[0], ei[1]
    bf16 = jnp.bfloat16
    ew3 = edge_weight.reshape(N_EDGES // EB, 1, EB)
    zeros = jnp.zeros((RPT, HIDDEN), jnp.float32)
    h1 = _h1_call(h, W_aw.astype(bf16), b_aw.reshape(1, HIDDEN))
    wf_a = _filter_a(edge_attr, ew3, W_m1.astype(bf16),
                     b_m1.reshape(1, HIDDEN), W_m2.astype(bf16),
                     b_m2.reshape(1, HIDDEN))
    pa = _sc_a(h1, wf_a, src, dst, zeros)
    wf_b = _filter_b(edge_attr, ew3, W_m1.astype(bf16),
                     b_m1.reshape(1, HIDDEN), W_m2.astype(bf16),
                     b_m2.reshape(1, HIDDEN))
    pb = _sc_b(h1, wf_b, src, dst, zeros)
    out = _out_call(pa.reshape(NC, NPAD, HIDDEN), pb.reshape(NC, NPAD, HIDDEN),
                    W_o1.astype(bf16), b_o1.reshape(1, HIDDEN),
                    W_o2.astype(bf16), b_o2.reshape(1, HIDDEN))
    return out

# --- scband reference (transcript-rebuilt; emitter-appended) ---
"""Pipeline reference for scband-interaction-10282151706847 (READ-ONLY COPY).

The authoritative reference and input builder live on the scoring server;
editing this copy changes nothing except your own understanding.
"""

import jax, jax.numpy as jnp
import numpy as np

CUTOFF = 10.0
N_NODES = 10000
N_EDGES = 320000
HIDDEN = 128
NUM_GAUSS = 50


def _ssp(x):
    return jax.nn.softplus(x) - jnp.log(2.0)


def setup_inputs(seed: int = 0) -> dict:
    key = jax.random.key(seed)
    ks = jax.random.split(key, 12)
    h = jax.random.normal(ks[0], (N_NODES, HIDDEN), dtype=jnp.float32)
    edge_index = jax.random.randint(ks[1], (2, N_EDGES), 0, N_NODES, dtype=jnp.int64)
    edge_weight = jax.random.uniform(ks[2], (N_EDGES,), dtype=jnp.float32) * CUTOFF
    edge_attr = jax.random.normal(ks[3], (N_EDGES, NUM_GAUSS), dtype=jnp.float32)
    # parameters (stored as [in, out]; xavier-like scale)
    def xavier(k, shape):
        fan_in, fan_out = shape
        limit = jnp.sqrt(6.0 / (fan_in + fan_out))
        return jax.random.uniform(k, shape, dtype=jnp.float32, minval=-limit, maxval=limit)
    W_aw = xavier(ks[4], (HIDDEN, HIDDEN)); b_aw = jnp.zeros((HIDDEN,), jnp.float32)
    W_m1 = xavier(ks[5], (NUM_GAUSS, HIDDEN)); b_m1 = jnp.zeros((HIDDEN,), jnp.float32)
    W_m2 = xavier(ks[6], (HIDDEN, HIDDEN)); b_m2 = jnp.zeros((HIDDEN,), jnp.float32)
    W_o1 = xavier(ks[7], (HIDDEN, HIDDEN)); b_o1 = jnp.zeros((HIDDEN,), jnp.float32)
    W_o2 = xavier(ks[8], (HIDDEN, HIDDEN)); b_o2 = jnp.zeros((HIDDEN,), jnp.float32)
    return {"h": h, "edge_index": edge_index, "edge_weight": edge_weight, "edge_attr": edge_attr,
            "W_aw": W_aw, "b_aw": b_aw, "W_m1": W_m1, "b_m1": b_m1, "W_m2": W_m2, "b_m2": b_m2,
            "W_o1": W_o1, "b_o1": b_o1, "W_o2": W_o2, "b_o2": b_o2}


def reference(h, edge_index, edge_weight, edge_attr,
              W_aw, b_aw, W_m1, b_m1, W_m2, b_m2, W_o1, b_o1, W_o2, b_o2):
    # atom_wise linear
    h1 = h @ W_aw + b_aw
    # CFConv: cosine cutoff envelope
    C = 0.5 * (jnp.cos(edge_weight * jnp.pi / CUTOFF) + 1.0)
    # filter network (mlp) on edge_attr
    Wf = _ssp(edge_attr @ W_m1 + b_m1)
    Wf = _ssp(Wf @ W_m2 + b_m2)
    Wf = Wf * C[:, None]
    # message passing: gather from source nodes, scatter-add to dst nodes
    src = edge_index[0]
    dst = edge_index[1]
    msg = h1[src] * Wf
    agg = jax.ops.segment_sum(msg, dst, num_segments=h.shape[0])
    # output MLP
    out = _ssp(agg @ W_o1 + b_o1)
    out = out @ W_o2 + b_o2
    return out

if __name__ == "__main__":
    import jax
    _d = setup_inputs()
    print(jax.jit(kernel)(*tuple(_d.values())))

</pallas_src>

<mosaic_0001>
#map = affine_map<(d0, d1) -> (0, 0)>
#map1 = affine_map<(d0, d1) -> (0)>
module attributes {stable_mosaic.version = 14 : i64} {
  func.func @_sc_body(%arg0: i32, %arg1: i32, %arg2: memref<10000x128xf32, #tpu.memory_space<hbm>>, %arg3: memref<160000x128xf32, #tpu.memory_space<hbm>>, %arg4: memref<320000xi32, #tpu.memory_space<hbm>>, %arg5: memref<320000xi32, #tpu.memory_space<hbm>>, %arg6: memref<640x128xf32, #tpu.memory_space<hbm>>, %arg7: memref<20480x128xf32, #tpu.memory_space<hbm>>, %arg8: memref<5000xi32, #tpu.memory_space<vmem>>, %arg9: memref<40xi32, #tpu.memory_space<vmem>>, %arg10: memref<40xi32, #tpu.memory_space<vmem>>, %arg11: memref<40x128xf32, #tpu.memory_space<vmem>>, %arg12: memref<40x128xf32, #tpu.memory_space<vmem>>, %arg13: memref<40x128xf32, #tpu.memory_space<vmem>>, %arg14: memref<40x128xf32, #tpu.memory_space<vmem>>, %arg15: memref<10240x128xf32, #tpu.memory_space<vmem_shared>>, %arg16: memref<!tpu.dma_semaphore, #tpu.memory_space<semaphore_mem>>, %arg17: memref<!tpu.dma_semaphore, #tpu.memory_space<semaphore_mem>>, %arg18: memref<!tpu.dma_semaphore, #tpu.memory_space<semaphore_mem>>, %arg19: memref<!tpu.dma_semaphore, #tpu.memory_space<semaphore_mem>>, %arg20: memref<!tpu.dma_semaphore, #tpu.memory_space<semaphore_mem>>, %arg21: memref<!tpu.dma_semaphore, #tpu.memory_space<semaphore_mem>>, %arg22: memref<!tpu.dma_semaphore, #tpu.memory_space<semaphore_mem>>, %arg23: memref<!tpu.dma_semaphore, #tpu.memory_space<semaphore_mem>>) attributes {dimension_semantics = [#tpu.dimension_semantics<core_parallel>, #tpu.dimension_semantics<subcore_parallel>], iteration_bounds = array<i64: 2, 16>, scalar_prefetch = 0 : i64, scratch_operands = 16 : i64, tpu.core_type = #tpu.core_type<sc_vector_subcore>, window_params = [{transform_indices = #map}, {transform_indices = #map}, {transform_indices = #map1}, {transform_indices = #map1}, {transform_indices = #map}, {transform_indices = #map}]} {
    %mul3A = arith.constant 80000 : i32
    %mul3A_0 = arith.muli %arg0, %mul3A : i32
    %mul3A_1 = arith.constant 5000 : i32
    %mul3A_2 = arith.muli %arg1, %mul3A_1 : i32
    %add3A = arith.addi %mul3A_0, %mul3A_2 : i32
    %add3A_3 = arith.constant 160000 : i32
    %add3A_4 = arith.addi %add3A_3, %add3A : i32
    %mul3A_5 = arith.constant 640 : i32
    %mul3A_6 = arith.muli %arg1, %mul3A_5 : i32
    "tpu.region"() ({
      %run_scoped3A = tpu.sem_alloc : memref<!tpu.dma_semaphore, #tpu.memory_space<semaphore_mem>>
      %dma_start3A_39 = arith.constant 0 : i32
      %dma_start3A_40 = tpu.memref_slice %arg15[%mul3A_6, %dma_start3A_39] : memref<10240x128xf32, #tpu.memory_space<vmem_shared>> -> memref<640x128xf32, #tpu.memory_space<vmem_shared>>
      tpu.enqueue_dma source(%arg6 : memref<640x128xf32, #tpu.memory_space<hbm>>) target(%dma_start3A_40 : memref<640x128xf32, #tpu.memory_space<vmem_shared>>) target_semaphore(%run_scoped3A : memref<!tpu.dma_semaphore, #tpu.memory_space<semaphore_mem>>)
      %dma_wait3A_41 = arith.constant 0 : i32
      %dma_wait3A_42 = tpu.memref_slice %arg15[%mul3A_6, %dma_wait3A_41] : memref<10240x128xf32, #tpu.memory_space<vmem_shared>> -> memref<640x128xf32, #tpu.memory_space<vmem_shared>>
      tpu.wait_dma2 semaphore(%run_scoped3A : memref<!tpu.dma_semaphore, #tpu.memory_space<semaphore_mem>>) src(%arg6 : memref<640x128xf32, #tpu.memory_space<hbm>>) dst(%dma_wait3A_42 : memref<640x128xf32, #tpu.memory_space<vmem_shared>>)
      tpu.yield
    }) : () -> ()
    "tpu.region"() ({
      %run_scoped3A = tpu.sem_alloc : memref<!tpu.dma_semaphore, #tpu.memory_space<semaphore_mem>>
      %dma_start3A_39 = tpu.memref_slice %arg4[%add3A_4] : memref<320000xi32, #tpu.memory_space<hbm>> -> memref<5000xi32, #tpu.memory_space<hbm>>
      %dma_start3A_40 = tpu.memref_slice %arg4[%add3A_4] : memref<320000xi32, #tpu.memory_space<hbm>> -> memref<5000xi32, #tpu.memory_space<hbm>>
      tpu.enqueue_dma source(%dma_start3A_40 : memref<5000xi32, #tpu.memory_space<hbm>>) target(%arg8 : memref<5000xi32, #tpu.memory_space<vmem>>) target_semaphore(%run_scoped3A : memref<!tpu.dma_semaphore, #tpu.memory_space<semaphore_mem>>)
      %dma_wait3A_41 = tpu.memref_slice %arg4[%add3A_4] : memref<320000xi32, #tpu.memory_space<hbm>> -> memref<5000xi32, #tpu.memory_space<hbm>>
      %dma_wait3A_42 = tpu.memref_slice %arg4[%add3A_4] : memref<320000xi32, #tpu.memory_space<hbm>> -> memref<5000xi32, #tpu.memory_space<hbm>>
      tpu.wait_dma2 semaphore(%run_scoped3A : memref<!tpu.dma_semaphore, #tpu.memory_space<semaphore_mem>>) src(%dma_wait3A_42 : memref<5000xi32, #tpu.memory_space<hbm>>) dst(%arg8 : memref<5000xi32, #tpu.memory_space<vmem>>)
      tpu.yield
    }) : () -> ()
    %barrier3A = arith.constant 0 : index
    tpu.barrier barrier_id(%barrier3A)
    %add3A_7 = arith.constant 0 : i32
    %add3A_8 = arith.addi %add3A_4, %add3A_7 : i32
    %dma_start3A = tpu.memref_slice %arg5[%add3A_8] : memref<320000xi32, #tpu.memory_space<hbm>> -> memref<40xi32, #tpu.memory_space<hbm>>
    %dma_start3A_9 = tpu.memref_slice %arg5[%add3A_8] : memref<320000xi32, #tpu.memory_space<hbm>> -> memref<40xi32, #tpu.memory_space<hbm>>
    tpu.enqueue_dma source(%dma_start3A_9 : memref<40xi32, #tpu.memory_space<hbm>>) target(%arg9 : memref<40xi32, #tpu.memory_space<vmem>>) target_semaphore(%arg20 : memref<!tpu.dma_semaphore, #tpu.memory_space<semaphore_mem>>)
    %dma_start3A_10 = arith.constant 0 : i32
    %dma_start3A_11 = tpu.memref_slice %arg8[%dma_start3A_10] : memref<5000xi32, #tpu.memory_space<vmem>> -> memref<40xi32, #tpu.memory_space<vmem>>
    %dma_start3A_12 = arith.constant 0 : i32
    %dma_start3A_13 = arith.constant 0 : i32
    %dma_start3A_14 = tpu.memref_slice %arg2[%dma_start3A_12, %dma_start3A_13] : memref<10000x128xf32, #tpu.memory_space<hbm>> -> memref<10000x128xf32, #tpu.memory_space<hbm>>
    tpu.enqueue_indirect_dma source(%dma_start3A_14 : memref<10000x128xf32, #tpu.memory_space<hbm>>) target(%arg11 : memref<40x128xf32, #tpu.memory_space<vmem>>) offsets(%dma_start3A_11 : memref<40xi32, #tpu.memory_space<vmem>>) semaphore(%arg16 : memref<!tpu.dma_semaphore, #tpu.memory_space<semaphore_mem>>)
    %add3A_15 = arith.constant 0 : i32
    %add3A_16 = arith.addi %add3A, %add3A_15 : i32
    %dma_start3A_17 = arith.constant 0 : i32
    %dma_start3A_18 = tpu.memref_slice %arg3[%add3A_16, %dma_start3A_17] : memref<160000x128xf32, #tpu.memory_space<hbm>> -> memref<40x128xf32, #tpu.memory_space<hbm>>
    %dma_start3A_19 = arith.constant 0 : i32
    %dma_start3A_20 = tpu.memref_slice %arg3[%add3A_16, %dma_start3A_19] : memref<160000x128xf32, #tpu.memory_space<hbm>> -> memref<40x128xf32, #tpu.memory_space<hbm>>
    tpu.enqueue_dma source(%dma_start3A_20 : memref<40x128xf32, #tpu.memory_space<hbm>>) target(%arg13 : memref<40x128xf32, #tpu.memory_space<vmem>>) target_semaphore(%arg18 : memref<!tpu.dma_semaphore, #tpu.memory_space<semaphore_mem>>)
    %scan3A = arith.constant 0 : i32
    %scan3A_21 = arith.constant 0 : i32
    %scan3A_22 = arith.constant 63 : i32
    %scan3A_23 = arith.addi %scan3A_21, %scan3A_22 : i32
    %scan3A_24 = arith.constant 1 : i32
    scf.for %scan3A_39 = %scan3A_21 to %scan3A_23 step %scan3A_24  : i32 {
      %mul3A_40 = arith.constant 2 : i32
      %mul3A_41 = arith.muli %mul3A_40, %scan3A_39 : i32
      %add3A_42 = arith.constant 1 : i32
      %add3A_43 = arith.addi %mul3A_41, %add3A_42 : i32
      %lt3A = arith.constant 125 : i32
      %lt3A_44 = arith.cmpi slt, %add3A_43, %lt3A : i32
      %convert_element_type3A = arith.extui %lt3A_44 : i1 to i32
      %cond3A = arith.constant 0 : i32
      %cond3A_45 = arith.cmpi ne, %convert_element_type3A, %cond3A : i32
      scf.if %cond3A_45 {
        %ge3A = arith.constant 2 : i32
        %ge3A_63 = arith.cmpi sge, %add3A_43, %ge3A : i32
        %convert_element_type3A_64 = arith.extui %ge3A_63 : i1 to i32
        %cond3A_65 = arith.constant 0 : i32
        %cond3A_66 = arith.cmpi ne, %convert_element_type3A_64, %cond3A_65 : i32
        scf.if %cond3A_66 {
          %dma_wait3A_85 = arith.constant 0 : i32
          %dma_wait3A_86 = arith.constant 0 : i32
          %dma_wait3A_87 = tpu.memref_slice %arg15[%dma_wait3A_85, %dma_wait3A_86] : memref<10240x128xf32, #tpu.memory_space<vmem_shared>> -> memref<10240x128xf32, #tpu.memory_space<vmem_shared>>
          tpu.wait_indirect_dma semaphore(%arg23 : memref<!tpu.dma_semaphore, #tpu.memory_space<semaphore_mem>>) src(%arg12 : memref<40x128xf32, #tpu.memory_space<vmem>>) dst(%dma_wait3A_87 : memref<10240x128xf32, #tpu.memory_space<vmem_shared>>)
        } else {
        }
        %mul3A_67 = arith.constant 40 : i32
        %mul3A_68 = arith.muli %add3A_43, %mul3A_67 : i32
        %add3A_69 = arith.addi %add3A_4, %mul3A_68 : i32
        %dma_start3A_70 = tpu.memref_slice %arg5[%add3A_69] : memref<320000xi32, #tpu.memory_space<hbm>> -> memref<40xi32, #tpu.memory_space<hbm>>
        %dma_start3A_71 = tpu.memref_slice %arg5[%add3A_69] : memref<320000xi32, #tpu.memory_space<hbm>> -> memref<40xi32, #tpu.memory_space<hbm>>
        tpu.enqueue_dma source(%dma_start3A_71 : memref<40xi32, #tpu.memory_space<hbm>>) target(%arg10 : memref<40xi32, #tpu.memory_space<vmem>>) target_semaphore(%arg21 : memref<!tpu.dma_semaphore, #tpu.memory_space<semaphore_mem>>)
        %mul3A_72 = arith.constant 40 : i32
        %mul3A_73 = arith.muli %add3A_43, %mul3A_72 : i32
        %dma_start3A_74 = tpu.memref_slice %arg8[%mul3A_73] : memref<5000xi32, #tpu.memory_space<vmem>> -> memref<40xi32, #tpu.memory_space<vmem>>
        %dma_start3A_75 = arith.constant 0 : i32
        %dma_start3A_76 = arith.constant 0 : i32
        %dma_start3A_77 = tpu.memref_slice %arg2[%dma_start3A_75, %dma_start3A_76] : memref<10000x128xf32, #tpu.memory_space<hbm>> -> memref<10000x128xf32, #tpu.memory_space<hbm>>
        tpu.enqueue_indirect_dma source(%dma_start3A_77 : memref<10000x128xf32, #tpu.memory_space<hbm>>) target(%arg12 : memref<40x128xf32, #tpu.memory_space<vmem>>) offsets(%dma_start3A_74 : memref<40xi32, #tpu.memory_space<vmem>>) semaphore(%arg17 : memref<!tpu.dma_semaphore, #tpu.memory_space<semaphore_mem>>)
        %mul3A_78 = arith.constant 40 : i32
        %mul3A_79 = arith.muli %add3A_43, %mul3A_78 : i32
        %add3A_80 = arith.addi %add3A, %mul3A_79 : i32
        %dma_start3A_81 = arith.constant 0 : i32
        %dma_start3A_82 = tpu.memref_slice %arg3[%add3A_80, %dma_start3A_81] : memref<160000x128xf32, #tpu.memory_space<hbm>> -> memref<40x128xf32, #tpu.memory_space<hbm>>
        %dma_start3A_83 = arith.constant 0 : i32
        %dma_start3A_84 = tpu.memref_slice %arg3[%add3A_80, %dma_start3A_83] : memref<160000x128xf32, #tpu.memory_space<hbm>> -> memref<40x128xf32, #tpu.memory_space<hbm>>
        tpu.enqueue_dma source(%dma_start3A_84 : memref<40x128xf32, #tpu.memory_space<hbm>>) target(%arg14 : memref<40x128xf32, #tpu.memory_space<vmem>>) target_semaphore(%arg19 : memref<!tpu.dma_semaphore, #tpu.memory_space<semaphore_mem>>)
      } else {
      }
      %lt3A_46 = arith.constant 125 : i32
      %lt3A_47 = arith.cmpi slt, %mul3A_41, %lt3A_46 : i32
      %convert_element_type3A_48 = arith.extui %lt3A_47 : i1 to i32
      %cond3A_49 = arith.constant 0 : i32
      %cond3A_50 = arith.cmpi ne, %convert_element_type3A_48, %cond3A_49 : i32
      scf.if %cond3A_50 {
        %mul3A_63 = arith.constant 40 : i32
        %mul3A_64 = arith.muli %mul3A_41, %mul3A_63 : i32
        %dma_wait3A_65 = tpu.memref_slice %arg8[%mul3A_64] : memref<5000xi32, #tpu.memory_space<vmem>> -> memref<40xi32, #tpu.memory_space<vmem>>
        %dma_wait3A_66 = arith.constant 0 : i32
        %dma_wait3A_67 = arith.constant 0 : i32
        %dma_wait3A_68 = tpu.memref_slice %arg2[%dma_wait3A_66, %dma_wait3A_67] : memref<10000x128xf32, #tpu.memory_space<hbm>> -> memref<10000x128xf32, #tpu.memory_space<hbm>>
        tpu.wait_indirect_dma semaphore(%arg16 : memref<!tpu.dma_semaphore, #tpu.memory_space<semaphore_mem>>) src(%dma_wait3A_68 : memref<10000x128xf32, #tpu.memory_space<hbm>>) dst(%arg11 : memref<40x128xf32, #tpu.memory_space<vmem>>)
        %mul3A_69 = arith.constant 40 : i32
        %mul3A_70 = arith.muli %mul3A_41, %mul3A_69 : i32
        %add3A_71 = arith.addi %add3A, %mul3A_70 : i32
        %dma_wait3A_72 = arith.constant 0 : i32
        %dma_wait3A_73 = tpu.memref_slice %arg3[%add3A_71, %dma_wait3A_72] : memref<160000x128xf32, #tpu.memory_space<hbm>> -> memref<40x128xf32, #tpu.memory_space<hbm>>
        %dma_wait3A_74 = arith.constant 0 : i32
        %dma_wait3A_75 = tpu.memref_slice %arg3[%add3A_71, %dma_wait3A_74] : memref<160000x128xf32, #tpu.memory_space<hbm>> -> memref<40x128xf32, #tpu.memory_space<hbm>>
        tpu.wait_dma2 semaphore(%arg18 : memref<!tpu.dma_semaphore, #tpu.memory_space<semaphore_mem>>) src(%dma_wait3A_75 : memref<40x128xf32, #tpu.memory_space<hbm>>) dst(%arg13 : memref<40x128xf32, #tpu.memory_space<vmem>>)
        %scan3A_76 = arith.constant 0 : i32
        %scan3A_77 = arith.constant 0 : i32
        %scan3A_78 = arith.constant 40 : i32
        %scan3A_79 = arith.addi %scan3A_77, %scan3A_78 : i32
        %scan3A_80 = arith.constant 1 : i32
        scf.for %scan3A_90 = %scan3A_77 to %scan3A_79 step %scan3A_80  : i32 {
          %get3A = arith.index_cast %scan3A_90 : i32 to index
          %get3A_91 = arith.constant 0 : index
          %get3A_92 = tpu.vector_load %arg11[%get3A, %get3A_91] {strides = array<i32>} : memref<40x128xf32, #tpu.memory_space<vmem>>, vector<1x16xf32>,
          %get3A_93 = vector.shape_cast %get3A_92 : vector<1x16xf32> to vector<16xf32>
          %get3A_94 = arith.index_cast %scan3A_90 : i32 to index
          %get3A_95 = arith.constant 0 : index
          %get3A_96 = tpu.vector_load %arg13[%get3A_94, %get3A_95] {strides = array<i32>} : memref<40x128xf32, #tpu.memory_space<vmem>>, vector<1x16xf32>,
          %get3A_97 = vector.shape_cast %get3A_96 : vector<1x16xf32> to vector<16xf32>
          %mul3A_98 = arith.mulf %get3A_93, %get3A_97 : vector<16xf32>
          %swap3A = arith.index_cast %scan3A_90 : i32 to index
          %swap3A_99 = arith.constant 0 : index
          %swap3A_100 = tpu.vector_load %arg11[%swap3A, %swap3A_99] {strides = array<i32>} : memref<40x128xf32, #tpu.memory_space<vmem>>, vector<1x16xf32>,
          %swap3A_101 = vector.shape_cast %swap3A_100 : vector<1x16xf32> to vector<16xf32>
          %swap3A_102 = vector.shape_cast %mul3A_98 : vector<16xf32> to vector<1x16xf32>
          tpu.vector_store %arg11[%swap3A, %swap3A_99], %swap3A_102 {strides = array<i32>} : memref<40x128xf32, #tpu.memory_space<vmem>>, vector<1x16xf32>,
          %get3A_103 = arith.index_cast %scan3A_90 : i32 to index
          %get3A_104 = arith.constant 16 : index
          %get3A_105 = tpu.vector_load %arg11[%get3A_103, %get3A_104] {strides = array<i32>} : memref<40x128xf32, #tpu.memory_space<vmem>>, vector<1x16xf32>,
          %get3A_106 = vector.shape_cast %get3A_105 : vector<1x16xf32> to vector<16xf32>
          %get3A_107 = arith.index_cast %scan3A_90 : i32 to index
          %get3A_108 = arith.constant 16 : index
          %get3A_109 = tpu.vector_load %arg13[%get3A_107, %get3A_108] {strides = array<i32>} : memref<40x128xf32, #tpu.memory_space<vmem>>, vector<1x16xf32>,
          %get3A_110 = vector.shape_cast %get3A_109 : vector<1x16xf32> to vector<16xf32>
          %mul3A_111 = arith.mulf %get3A_106, %get3A_110 : vector<16xf32>
          %swap3A_112 = arith.index_cast %scan3A_90 : i32 to index
          %swap3A_113 = arith.constant 16 : index
          %swap3A_114 = tpu.vector_load %arg11[%swap3A_112, %swap3A_113] {strides = array<i32>} : memref<40x128xf32, #tpu.memory_space<vmem>>, vector<1x16xf32>,
          %swap3A_115 = vector.shape_cast %swap3A_114 : vector<1x16xf32> to vector<16xf32>
          %swap3A_116 = vector.shape_cast %mul3A_111 : vector<16xf32> to vector<1x16xf32>
          tpu.vector_store %arg11[%swap3A_112, %swap3A_113], %swap3A_116 {strides = array<i32>} : memref<40x128xf32, #tpu.memory_space<vmem>>, vector<1x16xf32>,
          %get3A_117 = arith.index_cast %scan3A_90 : i32 to index
          %get3A_118 = arith.constant 32 : index
          %get3A_119 = tpu.vector_load %arg11[%get3A_117, %get3A_118] {strides = array<i32>} : memref<40x128xf32, #tpu.memory_space<vmem>>, vector<1x16xf32>,
          %get3A_120 = vector.shape_cast %get3A_119 : vector<1x16xf32> to vector<16xf32>
          %get3A_121 = arith.index_cast %scan3A_90 : i32 to index
          %get3A_122 = arith.constant 32 : index
          %get3A_123 = tpu.vector_load %arg13[%get3A_121, %get3A_122] {strides = array<i32>} : memref<40x128xf32, #tpu.memory_space<vmem>>, vector<1x16xf32>,
          %get3A_124 = vector.shape_cast %get3A_123 : vector<1x16xf32> to vector<16xf32>
          %mul3A_125 = arith.mulf %get3A_120, %get3A_124 : vector<16xf32>
          %swap3A_126 = arith.index_cast %scan3A_90 : i32 to index
          %swap3A_127 = arith.constant 32 : index
          %swap3A_128 = tpu.vector_load %arg11[%swap3A_126, %swap3A_127] {strides = array<i32>} : memref<40x128xf32, #tpu.memory_space<vmem>>, vector<1x16xf32>,
          %swap3A_129 = vector.shape_cast %swap3A_128 : vector<1x16xf32> to vector<16xf32>
          %swap3A_130 = vector.shape_cast %mul3A_125 : vector<16xf32> to vector<1x16xf32>
          tpu.vector_store %arg11[%swap3A_126, %swap3A_127], %swap3A_130 {strides = array<i32>} : memref<40x128xf32, #tpu.memory_space<vmem>>, vector<1x16xf32>,
          %get3A_131 = arith.index_cast %scan3A_90 : i32 to index
          %get3A_132 = arith.constant 48 : index
          %get3A_133 = tpu.vector_load %arg11[%get3A_131, %get3A_132] {strides = array<i32>} : memref<40x128xf32, #tpu.memory_space<vmem>>, vector<1x16xf32>,
          %get3A_134 = vector.shape_cast %get3A_133 : vector<1x16xf32> to vector<16xf32>
          %get3A_135 = arith.index_cast %scan3A_90 : i32 to index
          %get3A_136 = arith.constant 48 : index
          %get3A_137 = tpu.vector_load %arg13[%get3A_135, %get3A_136] {strides = array<i32>} : memref<40x128xf32, #tpu.memory_space<vmem>>, vector<1x16xf32>,
          %get3A_138 = vector.shape_cast %get3A_137 : vector<1x16xf32> to vector<16xf32>
          %mul3A_139 = arith.mulf %get3A_134, %get3A_138 : vector<16xf32>
          %swap3A_140 = arith.index_cast %scan3A_90 : i32 to index
          %swap3A_141 = arith.constant 48 : index
          %swap3A_142 = tpu.vector_load %arg11[%swap3A_140, %swap3A_141] {strides = array<i32>} : memref<40x128xf32, #tpu.memory_space<vmem>>, vector<1x16xf32>,
          %swap3A_143 = vector.shape_cast %swap3A_142 : vector<1x16xf32> to vector<16xf32>
          %swap3A_144 = vector.shape_cast %mul3A_139 : vector<16xf32> to vector<1x16xf32>
          tpu.vector_store %arg11[%swap3A_140, %swap3A_141], %swap3A_144 {strides = array<i32>} : memref<40x128xf32, #tpu.memory_space<vmem>>, vector<1x16xf32>,
          %get3A_145 = arith.index_cast %scan3A_90 : i32 to index
          %get3A_146 = arith.constant 64 : index
          %get3A_147 = tpu.vector_load %arg11[%get3A_145, %get3A_146] {strides = array<i32>} : memref<40x128xf32, #tpu.memory_space<vmem>>, vector<1x16xf32>,
          %get3A_148 = vector.shape_cast %get3A_147 : vector<1x16xf32> to vector<16xf32>
          %get3A_149 = arith.index_cast %scan3A_90 : i32 to index
          %get3A_150 = arith.constant 64 : index
          %get3A_151 = tpu.vector_load %arg13[%get3A_149, %get3A_150] {strides = array<i32>} : memref<40x128xf32, #tpu.memory_space<vmem>>, vector<1x16xf32>,
          %get3A_152 = vector.shape_cast %get3A_151 : vector<1x16xf32> to vector<16xf32>
          %mul3A_153 = arith.mulf %get3A_148, %get3A_152 : vector<16xf32>
          %swap3A_154 = arith.index_cast %scan3A_90 : i32 to index
          %swap3A_155 = arith.constant 64 : index
          %swap3A_156 = tpu.vector_load %arg11[%swap3A_154, %swap3A_155] {strides = array<i32>} : memref<40x128xf32, #tpu.memory_space<vmem>>, vector<1x16xf32>,
          %swap3A_157 = vector.shape_cast %swap3A_156 : vector<1x16xf32> to vector<16xf32>
          %swap3A_158 = vector.shape_cast %mul3A_153 : vector<16xf32> to vector<1x16xf32>
          tpu.vector_store %arg11[%swap3A_154, %swap3A_155], %swap3A_158 {strides = array<i32>} : memref<40x128xf32, #tpu.memory_space<vmem>>, vector<1x16xf32>,
          %get3A_159 = arith.index_cast %scan3A_90 : i32 to index
          %get3A_160 = arith.constant 80 : index
          %get3A_161 = tpu.vector_load %arg11[%get3A_159, %get3A_160] {strides = array<i32>} : memref<40x128xf32, #tpu.memory_space<vmem>>, vector<1x16xf32>,
          %get3A_162 = vector.shape_cast %get3A_161 : vector<1x16xf32> to vector<16xf32>
          %get3A_163 = arith.index_cast %scan3A_90 : i32 to index
          %get3A_164 = arith.constant 80 : index
          %get3A_165 = tpu.vector_load %arg13[%get3A_163, %get3A_164] {strides = array<i32>} : memref<40x128xf32, #tpu.memory_space<vmem>>, vector<1x16xf32>,
          %get3A_166 = vector.shape_cast %get3A_165 : vector<1x16xf32> to vector<16xf32>
          %mul3A_167 = arith.mulf %get3A_162, %get3A_166 : vector<16xf32>
          %swap3A_168 = arith.index_cast %scan3A_90 : i32 to index
          %swap3A_169 = arith.constant 80 : index
          %swap3A_170 = tpu.vector_load %arg11[%swap3A_168, %swap3A_169] {strides = array<i32>} : memref<40x128xf32, #tpu.memory_space<vmem>>, vector<1x16xf32>,
          %swap3A_171 = vector.shape_cast %swap3A_170 : vector<1x16xf32> to vector<16xf32>
          %swap3A_172 = vector.shape_cast %mul3A_167 : vector<16xf32> to vector<1x16xf32>
          tpu.vector_store %arg11[%swap3A_168, %swap3A_169], %swap3A_172 {strides = array<i32>} : memref<40x128xf32, #tpu.memory_space<vmem>>, vector<1x16xf32>,
          %get3A_173 = arith.index_cast %scan3A_90 : i32 to index
          %get3A_174 = arith.constant 96 : index
          %get3A_175 = tpu.vector_load %arg11[%get3A_173, %get3A_174] {strides = array<i32>} : memref<40x128xf32, #tpu.memory_space<vmem>>, vector<1x16xf32>,
          %get3A_176 = vector.shape_cast %get3A_175 : vector<1x16xf32> to vector<16xf32>
          %get3A_177 = arith.index_cast %scan3A_90 : i32 to index
          %get3A_178 = arith.constant 96 : index
          %get3A_179 = tpu.vector_load %arg13[%get3A_177, %get3A_178] {strides = array<i32>} : memref<40x128xf32, #tpu.memory_space<vmem>>, vector<1x16xf32>,
          %get3A_180 = vector.shape_cast %get3A_179 : vector<1x16xf32> to vector<16xf32>
          %mul3A_181 = arith.mulf %get3A_176, %get3A_180 : vector<16xf32>
          %swap3A_182 = arith.index_cast %scan3A_90 : i32 to index
          %swap3A_183 = arith.constant 96 : index
          %swap3A_184 = tpu.vector_load %arg11[%swap3A_182, %swap3A_183] {strides = array<i32>} : memref<40x128xf32, #tpu.memory_space<vmem>>, vector<1x16xf32>,
          %swap3A_185 = vector.shape_cast %swap3A_184 : vector<1x16xf32> to vector<16xf32>
          %swap3A_186 = vector.shape_cast %mul3A_181 : vector<16xf32> to vector<1x16xf32>
          tpu.vector_store %arg11[%swap3A_182, %swap3A_183], %swap3A_186 {strides = array<i32>} : memref<40x128xf32, #tpu.memory_space<vmem>>, vector<1x16xf32>,
          %get3A_187 = arith.index_cast %scan3A_90 : i32 to index
          %get3A_188 = arith.constant 112 : index
          %get3A_189 = tpu.vector_load %arg11[%get3A_187, %get3A_188] {strides = array<i32>} : memref<40x128xf32, #tpu.memory_space<vmem>>, vector<1x16xf32>,
          %get3A_190 = vector.shape_cast %get3A_189 : vector<1x16xf32> to vector<16xf32>
          %get3A_191 = arith.index_cast %scan3A_90 : i32 to index
          %get3A_192 = arith.constant 112 : index
          %get3A_193 = tpu.vector_load %arg13[%get3A_191, %get3A_192] {strides = array<i32>} : memref<40x128xf32, #tpu.memory_space<vmem>>, vector<1x16xf32>,
          %get3A_194 = vector.shape_cast %get3A_193 : vector<1x16xf32> to vector<16xf32>
          %mul3A_195 = arith.mulf %get3A_190, %get3A_194 : vector<16xf32>
          %swap3A_196 = arith.index_cast %scan3A_90 : i32 to index
          %swap3A_197 = arith.constant 112 : index
          %swap3A_198 = tpu.vector_load %arg11[%swap3A_196, %swap3A_197] {strides = array<i32>} : memref<40x128xf32, #tpu.memory_space<vmem>>, vector<1x16xf32>,
          %swap3A_199 = vector.shape_cast %swap3A_198 : vector<1x16xf32> to vector<16xf32>
          %swap3A_200 = vector.shape_cast %mul3A_195 : vector<16xf32> to vector<1x16xf32>
          tpu.vector_store %arg11[%swap3A_196, %swap3A_197], %swap3A_200 {strides = array<i32>} : memref<40x128xf32, #tpu.memory_space<vmem>>, vector<1x16xf32>,
        }
        %scan3A_81 = arith.constant 40 : i32
        %mul3A_82 = arith.constant 40 : i32
        %mul3A_83 = arith.muli %mul3A_41, %mul3A_82 : i32
        %add3A_84 = arith.addi %add3A_4, %mul3A_83 : i32
        %dma_wait3A_85 = tpu.memref_slice %arg5[%add3A_84] : memref<320000xi32, #tpu.memory_space<hbm>> -> memref<40xi32, #tpu.memory_space<hbm>>
        %dma_wait3A_86 = tpu.memref_slice %arg5[%add3A_84] : memref<320000xi32, #tpu.memory_space<hbm>> -> memref<40xi32, #tpu.memory_space<hbm>>
        tpu.wait_dma2 semaphore(%arg20 : memref<!tpu.dma_semaphore, #tpu.memory_space<semaphore_mem>>) src(%dma_wait3A_86 : memref<40xi32, #tpu.memory_space<hbm>>) dst(%arg9 : memref<40xi32, #tpu.memory_space<vmem>>)
        %dma_start3A_87 = arith.constant 0 : i32
        %dma_start3A_88 = arith.constant 0 : i32
        %dma_start3A_89 = tpu.memref_slice %arg15[%dma_start3A_87, %dma_start3A_88] : memref<10240x128xf32, #tpu.memory_space<vmem_shared>> -> memref<10240x128xf32, #tpu.memory_space<vmem_shared>>
        tpu.enqueue_indirect_dma source(%arg11 : memref<40x128xf32, #tpu.memory_space<vmem>>) target(%dma_start3A_89 : memref<10240x128xf32, #tpu.memory_space<vmem_shared>>) offsets(%arg9 : memref<40xi32, #tpu.memory_space<vmem>>) semaphore(%arg22 : memref<!tpu.dma_semaphore, #tpu.memory_space<semaphore_mem>>) {add = true}
      } else {
      }
      %add3A_51 = arith.constant 2 : i32
      %add3A_52 = arith.addi %mul3A_41, %add3A_51 : i32
      %lt3A_53 = arith.constant 125 : i32
      %lt3A_54 = arith.cmpi slt, %add3A_52, %lt3A_53 : i32
      %convert_element_type3A_55 = arith.extui %lt3A_54 : i1 to i32
      %cond3A_56 = arith.constant 0 : i32
      %cond3A_57 = arith.cmpi ne, %convert_element_type3A_55, %cond3A_56 : i32
      scf.if %cond3A_57 {
        %ge3A = arith.constant 2 : i32
        %ge3A_63 = arith.cmpi sge, %add3A_52, %ge3A : i32
        %convert_element_type3A_64 = arith.extui %ge3A_63 : i1 to i32
        %cond3A_65 = arith.constant 0 : i32
        %cond3A_66 = arith.cmpi ne, %convert_element_type3A_64, %cond3A_65 : i32
        scf.if %cond3A_66 {
          %dma_wait3A_85 = arith.constant 0 : i32
          %dma_wait3A_86 = arith.constant 0 : i32
          %dma_wait3A_87 = tpu.memref_slice %arg15[%dma_wait3A_85, %dma_wait3A_86] : memref<10240x128xf32, #tpu.memory_space<vmem_shared>> -> memref<10240x128xf32, #tpu.memory_space<vmem_shared>>
          tpu.wait_indirect_dma semaphore(%arg22 : memref<!tpu.dma_semaphore, #tpu.memory_space<semaphore_mem>>) src(%arg11 : memref<40x128xf32, #tpu.memory_space<vmem>>) dst(%dma_wait3A_87 : memref<10240x128xf32, #tpu.memory_space<vmem_shared>>)
        } else {
        }
        %mul3A_67 = arith.constant 40 : i32
        %mul3A_68 = arith.muli %add3A_52, %mul3A_67 : i32
        %add3A_69 = arith.addi %add3A_4, %mul3A_68 : i32
        %dma_start3A_70 = tpu.memref_slice %arg5[%add3A_69] : memref<320000xi32, #tpu.memory_space<hbm>> -> memref<40xi32, #tpu.memory_space<hbm>>
        %dma_start3A_71 = tpu.memref_slice %arg5[%add3A_69] : memref<320000xi32, #tpu.memory_space<hbm>> -> memref<40xi32, #tpu.memory_space<hbm>>
        tpu.enqueue_dma source(%dma_start3A_71 : memref<40xi32, #tpu.memory_space<hbm>>) target(%arg9 : memref<40xi32, #tpu.memory_space<vmem>>) target_semaphore(%arg20 : memref<!tpu.dma_semaphore, #tpu.memory_space<semaphore_mem>>)
        %mul3A_72 = arith.constant 40 : i32
        %mul3A_73 = arith.muli %add3A_52, %mul3A_72 : i32
        %dma_start3A_74 = tpu.memref_slice %arg8[%mul3A_73] : memref<5000xi32, #tpu.memory_space<vmem>> -> memref<40xi32, #tpu.memory_space<vmem>>
        %dma_start3A_75 = arith.constant 0 : i32
        %dma_start3A_76 = arith.constant 0 : i32
        %dma_start3A_77 = tpu.memref_slice %arg2[%dma_start3A_75, %dma_start3A_76] : memref<10000x128xf32, #tpu.memory_space<hbm>> -> memref<10000x128xf32, #tpu.memory_space<hbm>>
        tpu.enqueue_indirect_dma source(%dma_start3A_77 : memref<10000x128xf32, #tpu.memory_space<hbm>>) target(%arg11 : memref<40x128xf32, #tpu.memory_space<vmem>>) offsets(%dma_start3A_74 : memref<40xi32, #tpu.memory_space<vmem>>) semaphore(%arg16 : memref<!tpu.dma_semaphore, #tpu.memory_space<semaphore_mem>>)
        %mul3A_78 = arith.constant 40 : i32
        %mul3A_79 = arith.muli %add3A_52, %mul3A_78 : i32
        %add3A_80 = arith.addi %add3A, %mul3A_79 : i32
        %dma_start3A_81 = arith.constant 0 : i32
        %dma_start3A_82 = tpu.memref_slice %arg3[%add3A_80, %dma_start3A_81] : memref<160000x128xf32, #tpu.memory_space<hbm>> -> memref<40x128xf32, #tpu.memory_space<hbm>>
        %dma_start3A_83 = arith.constant 0 : i32
        %dma_start3A_84 = tpu.memref_slice %arg3[%add3A_80, %dma_start3A_83] : memref<160000x128xf32, #tpu.memory_space<hbm>> -> memref<40x128xf32, #tpu.memory_space<hbm>>
        tpu.enqueue_dma source(%dma_start3A_84 : memref<40x128xf32, #tpu.memory_space<hbm>>) target(%arg13 : memref<40x128xf32, #tpu.memory_space<vmem>>) target_semaphore(%arg18 : memref<!tpu.dma_semaphore, #tpu.memory_space<semaphore_mem>>)
      } else {
      }
      %lt3A_58 = arith.constant 125 : i32
      %lt3A_59 = arith.cmpi slt, %add3A_43, %lt3A_58 : i32
      %convert_element_type3A_60 = arith.extui %lt3A_59 : i1 to i32
      %cond3A_61 = arith.constant 0 : i32
      %cond3A_62 = arith.cmpi ne, %convert_element_type3A_60, %cond3A_61 : i32
      scf.if %cond3A_62 {
        %mul3A_63 = arith.constant 40 : i32
        %mul3A_64 = arith.muli %add3A_43, %mul3A_63 : i32
        %dma_wait3A_65 = tpu.memref_slice %arg8[%mul3A_64] : memref<5000xi32, #tpu.memory_space<vmem>> -> memref<40xi32, #tpu.memory_space<vmem>>
        %dma_wait3A_66 = arith.constant 0 : i32
        %dma_wait3A_67 = arith.constant 0 : i32
        %dma_wait3A_68 = tpu.memref_slice %arg2[%dma_wait3A_66, %dma_wait3A_67] : memref<10000x128xf32, #tpu.memory_space<hbm>> -> memref<10000x128xf32, #tpu.memory_space<hbm>>
        tpu.wait_indirect_dma semaphore(%arg17 : memref<!tpu.dma_semaphore, #tpu.memory_space<semaphore_mem>>) src(%dma_wait3A_68 : memref<10000x128xf32, #tpu.memory_space<hbm>>) dst(%arg12 : memref<40x128xf32, #tpu.memory_space<vmem>>)
        %mul3A_69 = arith.constant 40 : i32
        %mul3A_70 = arith.muli %add3A_43, %mul3A_69 : i32
        %add3A_71 = arith.addi %add3A, %mul3A_70 : i32
        %dma_wait3A_72 = arith.constant 0 : i32
        %dma_wait3A_73 = tpu.memref_slice %arg3[%add3A_71, %dma_wait3A_72] : memref<160000x128xf32, #tpu.memory_space<hbm>> -> memref<40x128xf32, #tpu.memory_space<hbm>>
        %dma_wait3A_74 = arith.constant 0 : i32
        %dma_wait3A_75 = tpu.memref_slice %arg3[%add3A_71, %dma_wait3A_74] : memref<160000x128xf32, #tpu.memory_space<hbm>> -> memref<40x128xf32, #tpu.memory_space<hbm>>
        tpu.wait_dma2 semaphore(%arg19 : memref<!tpu.dma_semaphore, #tpu.memory_space<semaphore_mem>>) src(%dma_wait3A_75 : memref<40x128xf32, #tpu.memory_space<hbm>>) dst(%arg14 : memref<40x128xf32, #tpu.memory_space<vmem>>)
        %scan3A_76 = arith.constant 0 : i32
        %scan3A_77 = arith.constant 0 : i32
        %scan3A_78 = arith.constant 40 : i32
        %scan3A_79 = arith.addi %scan3A_77, %scan3A_78 : i32
        %scan3A_80 = arith.constant 1 : i32
        scf.for %scan3A_90 = %scan3A_77 to %scan3A_79 step %scan3A_80  : i32 {
          %get3A = arith.index_cast %scan3A_90 : i32 to index
          %get3A_91 = arith.constant 0 : index
          %get3A_92 = tpu.vector_load %arg12[%get3A, %get3A_91] {strides = array<i32>} : memref<40x128xf32, #tpu.memory_space<vmem>>, vector<1x16xf32>,
          %get3A_93 = vector.shape_cast %get3A_92 : vector<1x16xf32> to vector<16xf32>
          %get3A_94 = arith.index_cast %scan3A_90 : i32 to index
          %get3A_95 = arith.constant 0 : index
          %get3A_96 = tpu.vector_load %arg14[%get3A_94, %get3A_95] {strides = array<i32>} : memref<40x128xf32, #tpu.memory_space<vmem>>, vector<1x16xf32>,
          %get3A_97 = vector.shape_cast %get3A_96 : vector<1x16xf32> to vector<16xf32>
          %mul3A_98 = arith.mulf %get3A_93, %get3A_97 : vector<16xf32>
          %swap3A = arith.index_cast %scan3A_90 : i32 to index
          %swap3A_99 = arith.constant 0 : index
          %swap3A_100 = tpu.vector_load %arg12[%swap3A, %swap3A_99] {strides = array<i32>} : memref<40x128xf32, #tpu.memory_space<vmem>>, vector<1x16xf32>,
          %swap3A_101 = vector.shape_cast %swap3A_100 : vector<1x16xf32> to vector<16xf32>
          %swap3A_102 = vector.shape_cast %mul3A_98 : vector<16xf32> to vector<1x16xf32>
          tpu.vector_store %arg12[%swap3A, %swap3A_99], %swap3A_102 {strides = array<i32>} : memref<40x128xf32, #tpu.memory_space<vmem>>, vector<1x16xf32>,
          %get3A_103 = arith.index_cast %scan3A_90 : i32 to index
          %get3A_104 = arith.constant 16 : index
          %get3A_105 = tpu.vector_load %arg12[%get3A_103, %get3A_104] {strides = array<i32>} : memref<40x128xf32, #tpu.memory_space<vmem>>, vector<1x16xf32>,
          %get3A_106 = vector.shape_cast %get3A_105 : vector<1x16xf32> to vector<16xf32>
          %get3A_107 = arith.index_cast %scan3A_90 : i32 to index
          %get3A_108 = arith.constant 16 : index
          %get3A_109 = tpu.vector_load %arg14[%get3A_107, %get3A_108] {strides = array<i32>} : memref<40x128xf32, #tpu.memory_space<vmem>>, vector<1x16xf32>,
          %get3A_110 = vector.shape_cast %get3A_109 : vector<1x16xf32> to vector<16xf32>
          %mul3A_111 = arith.mulf %get3A_106, %get3A_110 : vector<16xf32>
          %swap3A_112 = arith.index_cast %scan3A_90 : i32 to index
          %swap3A_113 = arith.constant 16 : index
          %swap3A_114 = tpu.vector_load %arg12[%swap3A_112, %swap3A_113] {strides = array<i32>} : memref<40x128xf32, #tpu.memory_space<vmem>>, vector<1x16xf32>,
          %swap3A_115 = vector.shape_cast %swap3A_114 : vector<1x16xf32> to vector<16xf32>
          %swap3A_116 = vector.shape_cast %mul3A_111 : vector<16xf32> to vector<1x16xf32>
          tpu.vector_store %arg12[%swap3A_112, %swap3A_113], %swap3A_116 {strides = array<i32>} : memref<40x128xf32, #tpu.memory_space<vmem>>, vector<1x16xf32>,
          %get3A_117 = arith.index_cast %scan3A_90 : i32 to index
          %get3A_118 = arith.constant 32 : index
          %get3A_119 = tpu.vector_load %arg12[%get3A_117, %get3A_118] {strides = array<i32>} : memref<40x128xf32, #tpu.memory_space<vmem>>, vector<1x16xf32>,
          %get3A_120 = vector.shape_cast %get3A_119 : vector<1x16xf32> to vector<16xf32>
          %get3A_121 = arith.index_cast %scan3A_90 : i32 to index
          %get3A_122 = arith.constant 32 : index
          %get3A_123 = tpu.vector_load %arg14[%get3A_121, %get3A_122] {strides = array<i32>} : memref<40x128xf32, #tpu.memory_space<vmem>>, vector<1x16xf32>,
          %get3A_124 = vector.shape_cast %get3A_123 : vector<1x16xf32> to vector<16xf32>
          %mul3A_125 = arith.mulf %get3A_120, %get3A_124 : vector<16xf32>
          %swap3A_126 = arith.index_cast %scan3A_90 : i32 to index
          %swap3A_127 = arith.constant 32 : index
          %swap3A_128 = tpu.vector_load %arg12[%swap3A_126, %swap3A_127] {strides = array<i32>} : memref<40x128xf32, #tpu.memory_space<vmem>>, vector<1x16xf32>,
          %swap3A_129 = vector.shape_cast %swap3A_128 : vector<1x16xf32> to vector<16xf32>
          %swap3A_130 = vector.shape_cast %mul3A_125 : vector<16xf32> to vector<1x16xf32>
          tpu.vector_store %arg12[%swap3A_126, %swap3A_127], %swap3A_130 {strides = array<i32>} : memref<40x128xf32, #tpu.memory_space<vmem>>, vector<1x16xf32>,
          %get3A_131 = arith.index_cast %scan3A_90 : i32 to index
          %get3A_132 = arith.constant 48 : index
          %get3A_133 = tpu.vector_load %arg12[%get3A_131, %get3A_132] {strides = array<i32>} : memref<40x128xf32, #tpu.memory_space<vmem>>, vector<1x16xf32>,
          %get3A_134 = vector.shape_cast %get3A_133 : vector<1x16xf32> to vector<16xf32>
          %get3A_135 = arith.index_cast %scan3A_90 : i32 to index
          %get3A_136 = arith.constant 48 : index
          %get3A_137 = tpu.vector_load %arg14[%get3A_135, %get3A_136] {strides = array<i32>} : memref<40x128xf32, #tpu.memory_space<vmem>>, vector<1x16xf32>,
          %get3A_138 = vector.shape_cast %get3A_137 : vector<1x16xf32> to vector<16xf32>
          %mul3A_139 = arith.mulf %get3A_134, %get3A_138 : vector<16xf32>
          %swap3A_140 = arith.index_cast %scan3A_90 : i32 to index
          %swap3A_141 = arith.constant 48 : index
          %swap3A_142 = tpu.vector_load %arg12[%swap3A_140, %swap3A_141] {strides = array<i32>} : memref<40x128xf32, #tpu.memory_space<vmem>>, vector<1x16xf32>,
          %swap3A_143 = vector.shape_cast %swap3A_142 : vector<1x16xf32> to vector<16xf32>
          %swap3A_144 = vector.shape_cast %mul3A_139 : vector<16xf32> to vector<1x16xf32>
          tpu.vector_store %arg12[%swap3A_140, %swap3A_141], %swap3A_144 {strides = array<i32>} : memref<40x128xf32, #tpu.memory_space<vmem>>, vector<1x16xf32>,
          %get3A_145 = arith.index_cast %scan3A_90 : i32 to index
          %get3A_146 = arith.constant 64 : index
          %get3A_147 = tpu.vector_load %arg12[%get3A_145, %get3A_146] {strides = array<i32>} : memref<40x128xf32, #tpu.memory_space<vmem>>, vector<1x16xf32>,
          %get3A_148 = vector.shape_cast %get3A_147 : vector<1x16xf32> to vector<16xf32>
          %get3A_149 = arith.index_cast %scan3A_90 : i32 to index
          %get3A_150 = arith.constant 64 : index
          %get3A_151 = tpu.vector_load %arg14[%get3A_149, %get3A_150] {strides = array<i32>} : memref<40x128xf32, #tpu.memory_space<vmem>>, vector<1x16xf32>,
          %get3A_152 = vector.shape_cast %get3A_151 : vector<1x16xf32> to vector<16xf32>
          %mul3A_153 = arith.mulf %get3A_148, %get3A_152 : vector<16xf32>
          %swap3A_154 = arith.index_cast %scan3A_90 : i32 to index
          %swap3A_155 = arith.constant 64 : index
          %swap3A_156 = tpu.vector_load %arg12[%swap3A_154, %swap3A_155] {strides = array<i32>} : memref<40x128xf32, #tpu.memory_space<vmem>>, vector<1x16xf32>,
          %swap3A_157 = vector.shape_cast %swap3A_156 : vector<1x16xf32> to vector<16xf32>
          %swap3A_158 = vector.shape_cast %mul3A_153 : vector<16xf32> to vector<1x16xf32>
          tpu.vector_store %arg12[%swap3A_154, %swap3A_155], %swap3A_158 {strides = array<i32>} : memref<40x128xf32, #tpu.memory_space<vmem>>, vector<1x16xf32>,
          %get3A_159 = arith.index_cast %scan3A_90 : i32 to index
          %get3A_160 = arith.constant 80 : index
          %get3A_161 = tpu.vector_load %arg12[%get3A_159, %get3A_160] {strides = array<i32>} : memref<40x128xf32, #tpu.memory_space<vmem>>, vector<1x16xf32>,
          %get3A_162 = vector.shape_cast %get3A_161 : vector<1x16xf32> to vector<16xf32>
          %get3A_163 = arith.index_cast %scan3A_90 : i32 to index
          %get3A_164 = arith.constant 80 : index
          %get3A_165 = tpu.vector_load %arg14[%get3A_163, %get3A_164] {strides = array<i32>} : memref<40x128xf32, #tpu.memory_space<vmem>>, vector<1x16xf32>,
          %get3A_166 = vector.shape_cast %get3A_165 : vector<1x16xf32> to vector<16xf32>
          %mul3A_167 = arith.mulf %get3A_162, %get3A_166 : vector<16xf32>
          %swap3A_168 = arith.index_cast %scan3A_90 : i32 to index
          %swap3A_169 = arith.constant 80 : index
          %swap3A_170 = tpu.vector_load %arg12[%swap3A_168, %swap3A_169] {strides = array<i32>} : memref<40x128xf32, #tpu.memory_space<vmem>>, vector<1x16xf32>,
          %swap3A_171 = vector.shape_cast %swap3A_170 : vector<1x16xf32> to vector<16xf32>
          %swap3A_172 = vector.shape_cast %mul3A_167 : vector<16xf32> to vector<1x16xf32>
          tpu.vector_store %arg12[%swap3A_168, %swap3A_169], %swap3A_172 {strides = array<i32>} : memref<40x128xf32, #tpu.memory_space<vmem>>, vector<1x16xf32>,
          %get3A_173 = arith.index_cast %scan3A_90 : i32 to index
          %get3A_174 = arith.constant 96 : index
          %get3A_175 = tpu.vector_load %arg12[%get3A_173, %get3A_174] {strides = array<i32>} : memref<40x128xf32, #tpu.memory_space<vmem>>, vector<1x16xf32>,
          %get3A_176 = vector.shape_cast %get3A_175 : vector<1x16xf32> to vector<16xf32>
          %get3A_177 = arith.index_cast %scan3A_90 : i32 to index
          %get3A_178 = arith.constant 96 : index
          %get3A_179 = tpu.vector_load %arg14[%get3A_177, %get3A_178] {strides = array<i32>} : memref<40x128xf32, #tpu.memory_space<vmem>>, vector<1x16xf32>,
          %get3A_180 = vector.shape_cast %get3A_179 : vector<1x16xf32> to vector<16xf32>
          %mul3A_181 = arith.mulf %get3A_176, %get3A_180 : vector<16xf32>
          %swap3A_182 = arith.index_cast %scan3A_90 : i32 to index
          %swap3A_183 = arith.constant 96 : index
          %swap3A_184 = tpu.vector_load %arg12[%swap3A_182, %swap3A_183] {strides = array<i32>} : memref<40x128xf32, #tpu.memory_space<vmem>>, vector<1x16xf32>,
          %swap3A_185 = vector.shape_cast %swap3A_184 : vector<1x16xf32> to vector<16xf32>
          %swap3A_186 = vector.shape_cast %mul3A_181 : vector<16xf32> to vector<1x16xf32>
          tpu.vector_store %arg12[%swap3A_182, %swap3A_183], %swap3A_186 {strides = array<i32>} : memref<40x128xf32, #tpu.memory_space<vmem>>, vector<1x16xf32>,
          %get3A_187 = arith.index_cast %scan3A_90 : i32 to index
          %get3A_188 = arith.constant 112 : index
          %get3A_189 = tpu.vector_load %arg12[%get3A_187, %get3A_188] {strides = array<i32>} : memref<40x128xf32, #tpu.memory_space<vmem>>, vector<1x16xf32>,
          %get3A_190 = vector.shape_cast %get3A_189 : vector<1x16xf32> to vector<16xf32>
          %get3A_191 = arith.index_cast %scan3A_90 : i32 to index
          %get3A_192 = arith.constant 112 : index
          %get3A_193 = tpu.vector_load %arg14[%get3A_191, %get3A_192] {strides = array<i32>} : memref<40x128xf32, #tpu.memory_space<vmem>>, vector<1x16xf32>,
          %get3A_194 = vector.shape_cast %get3A_193 : vector<1x16xf32> to vector<16xf32>
          %mul3A_195 = arith.mulf %get3A_190, %get3A_194 : vector<16xf32>
          %swap3A_196 = arith.index_cast %scan3A_90 : i32 to index
          %swap3A_197 = arith.constant 112 : index
          %swap3A_198 = tpu.vector_load %arg12[%swap3A_196, %swap3A_197] {strides = array<i32>} : memref<40x128xf32, #tpu.memory_space<vmem>>, vector<1x16xf32>,
          %swap3A_199 = vector.shape_cast %swap3A_198 : vector<1x16xf32> to vector<16xf32>
          %swap3A_200 = vector.shape_cast %mul3A_195 : vector<16xf32> to vector<1x16xf32>
          tpu.vector_store %arg12[%swap3A_196, %swap3A_197], %swap3A_200 {strides = array<i32>} : memref<40x128xf32, #tpu.memory_space<vmem>>, vector<1x16xf32>,
        }
        %scan3A_81 = arith.constant 40 : i32
        %mul3A_82 = arith.constant 40 : i32
        %mul3A_83 = arith.muli %add3A_43, %mul3A_82 : i32
        %add3A_84 = arith.addi %add3A_4, %mul3A_83 : i32
        %dma_wait3A_85 = tpu.memref_slice %arg5[%add3A_84] : memref<320000xi32, #tpu.memory_space<hbm>> -> memref<40xi32, #tpu.memory_space<hbm>>
        %dma_wait3A_86 = tpu.memref_slice %arg5[%add3A_84] : memref<320000xi32, #tpu.memory_space<hbm>> -> memref<40xi32, #tpu.memory_space<hbm>>
        tpu.wait_dma2 semaphore(%arg21 : memref<!tpu.dma_semaphore, #tpu.memory_space<semaphore_mem>>) src(%dma_wait3A_86 : memref<40xi32, #tpu.memory_space<hbm>>) dst(%arg10 : memref<40xi32, #tpu.memory_space<vmem>>)
        %dma_start3A_87 = arith.constant 0 : i32
        %dma_start3A_88 = arith.constant 0 : i32
        %dma_start3A_89 = tpu.memref_slice %arg15[%dma_start3A_87, %dma_start3A_88] : memref<10240x128xf32, #tpu.memory_space<vmem_shared>> -> memref<10240x128xf32, #tpu.memory_space<vmem_shared>>
        tpu.enqueue_indirect_dma source(%arg12 : memref<40x128xf32, #tpu.memory_space<vmem>>) target(%dma_start3A_89 : memref<10240x128xf32, #tpu.memory_space<vmem_shared>>) offsets(%arg10 : memref<40xi32, #tpu.memory_space<vmem>>) semaphore(%arg23 : memref<!tpu.dma_semaphore, #tpu.memory_space<semaphore_mem>>) {add = true}
      } else {
      }
    }
    %scan3A_25 = arith.constant 63 : i32
    %dma_wait3A = arith.constant 0 : i32
    %dma_wait3A_26 = arith.constant 0 : i32
    %dma_wait3A_27 = tpu.memref_slice %arg15[%dma_wait3A, %dma_wait3A_26] : memref<10240x128xf32, #tpu.memory_space<vmem_shared>> -> memref<10240x128xf32, #tpu.memory_space<vmem_shared>>
    tpu.wait_indirect_dma semaphore(%arg22 : memref<!tpu.dma_semaphore, #tpu.memory_space<semaphore_mem>>) src(%arg11 : memref<40x128xf32, #tpu.memory_space<vmem>>) dst(%dma_wait3A_27 : memref<10240x128xf32, #tpu.memory_space<vmem_shared>>)
    %dma_wait3A_28 = arith.constant 0 : i32
    %dma_wait3A_29 = arith.constant 0 : i32
    %dma_wait3A_30 = tpu.memref_slice %arg15[%dma_wait3A_28, %dma_wait3A_29] : memref<10240x128xf32, #tpu.memory_space<vmem_shared>> -> memref<10240x128xf32, #tpu.memory_space<vmem_shared>>
    tpu.wait_indirect_dma semaphore(%arg23 : memref<!tpu.dma_semaphore, #tpu.memory_space<semaphore_mem>>) src(%arg12 : memref<40x128xf32, #tpu.memory_space<vmem>>) dst(%dma_wait3A_30 : memref<10240x128xf32, #tpu.memory_space<vmem_shared>>)
    %barrier3A_31 = arith.constant 0 : index
    tpu.barrier barrier_id(%barrier3A_31)
    %mul3A_32 = arith.constant 640 : i32
    %mul3A_33 = arith.muli %arg1, %mul3A_32 : i32
    %mul3A_34 = arith.constant 10240 : i32
    %mul3A_35 = arith.muli %arg0, %mul3A_34 : i32
    %mul3A_36 = arith.constant 640 : i32
    %mul3A_37 = arith.muli %arg1, %mul3A_36 : i32
    %add3A_38 = arith.addi %mul3A_35, %mul3A_37 : i32
    "tpu.region"() ({
      %run_scoped3A = tpu.sem_alloc : memref<!tpu.dma_semaphore, #tpu.memory_space<semaphore_mem>>
      %dma_start3A_39 = arith.constant 0 : i32
      %dma_start3A_40 = tpu.memref_slice %arg7[%add3A_38, %dma_start3A_39] : memref<20480x128xf32, #tpu.memory_space<hbm>> -> memref<640x128xf32, #tpu.memory_space<hbm>>
      %dma_start3A_41 = arith.constant 0 : i32
      %dma_start3A_42 = tpu.memref_slice %arg15[%mul3A_33, %dma_start3A_41] : memref<10240x128xf32, #tpu.memory_space<vmem_shared>> -> memref<640x128xf32, #tpu.memory_space<vmem_shared>>
      tpu.enqueue_dma source(%dma_start3A_42 : memref<640x128xf32, #tpu.memory_space<vmem_shared>>) target(%dma_start3A_40 : memref<640x128xf32, #tpu.memory_space<hbm>>) target_semaphore(%run_scoped3A : memref<!tpu.dma_semaphore, #tpu.memory_space<semaphore_mem>>)
      %dma_wait3A_43 = arith.constant 0 : i32
      %dma_wait3A_44 = tpu.memref_slice %arg7[%add3A_38, %dma_wait3A_43] : memref<20480x128xf32, #tpu.memory_space<hbm>> -> memref<640x128xf32, #tpu.memory_space<hbm>>
      %dma_wait3A_45 = arith.constant 0 : i32
      %dma_wait3A_46 = tpu.memref_slice %arg15[%mul3A_33, %dma_wait3A_45] : memref<10240x128xf32, #tpu.memory_space<vmem_shared>> -> memref<640x128xf32, #tpu.memory_space<vmem_shared>>
      tpu.wait_dma2 semaphore(%run_scoped3A : memref<!tpu.dma_semaphore, #tpu.memory_space<semaphore_mem>>) src(%dma_wait3A_46 : memref<640x128xf32, #tpu.memory_space<vmem_shared>>) dst(%dma_wait3A_44 : memref<640x128xf32, #tpu.memory_space<hbm>>)
      tpu.yield
    }) : () -> ()
    return
  }
}

#map = affine_map<(d0, d1) -> (0, 0)>
#map1 = affine_map<(d0, d1) -> (0)>
module attributes {stable_mosaic.version = 14 : i64} {
  func.func @_sc_body(%arg0: i32, %arg1: i32, %arg2: memref<10000x128xf32, #tpu.memory_space<hbm>>, %arg3: memref<160000x128xf32, #tpu.memory_space<hbm>>, %arg4: memref<320000xi32, #tpu.memory_space<hbm>>, %arg5: memref<320000xi32, #tpu.memory_space<hbm>>, %arg6: memref<640x128xf32, #tpu.memory_space<hbm>>, %arg7: memref<20480x128xf32, #tpu.memory_space<hbm>>, %arg8: memref<5000xi32, #tpu.memory_space<vmem>>, %arg9: memref<40xi32, #tpu.memory_space<vmem>>, %arg10: memref<40xi32, #tpu.memory_space<vmem>>, %arg11: memref<40x128xf32, #tpu.memory_space<vmem>>, %arg12: memref<40x128xf32, #tpu.memory_space<vmem>>, %arg13: memref<40x128xf32, #tpu.memory_space<vmem>>, %arg14: memref<40x128xf32, #tpu.memory_space<vmem>>, %arg15: memref<10240x128xf32, #tpu.memory_space<vmem_shared>>, %arg16: memref<!tpu.dma_semaphore, #tpu.memory_space<semaphore_mem>>, %arg17: memref<!tpu.dma_semaphore, #tpu.memory_space<semaphore_mem>>, %arg18: memref<!tpu.dma_semaphore, #tpu.memory_space<semaphore_mem>>, %arg19: memref<!tpu.dma_semaphore, #tpu.memory_space<semaphore_mem>>, %arg20: memref<!tpu.dma_semaphore, #tpu.memory_space<semaphore_mem>>, %arg21: memref<!tpu.dma_semaphore, #tpu.memory_space<semaphore_mem>>, %arg22: memref<!tpu.dma_semaphore, #tpu.memory_space<semaphore_mem>>, %arg23: memref<!tpu.dma_semaphore, #tpu.memory_space<semaphore_mem>>) attributes {dimension_semantics = [#tpu.dimension_semantics<core_parallel>, #tpu.dimension_semantics<subcore_parallel>], iteration_bounds = array<i64: 2, 16>, scalar_prefetch = 0 : i64, scratch_operands = 16 : i64, tpu.core_type = #tpu.core_type<sc_vector_subcore>, window_params = [{transform_indices = #map}, {transform_indices = #map}, {transform_indices = #map1}, {transform_indices = #map1}, {transform_indices = #map}, {transform_indices = #map}]} {
    %mul3A = arith.constant 80000 : i32
    %mul3A_0 = arith.muli %arg0, %mul3A : i32
    %mul3A_1 = arith.constant 5000 : i32
    %mul3A_2 = arith.muli %arg1, %mul3A_1 : i32
    %add3A = arith.addi %mul3A_0, %mul3A_2 : i32
    %add3A_3 = arith.constant 0 : i32
    %add3A_4 = arith.addi %add3A_3, %add3A : i32
    %mul3A_5 = arith.constant 640 : i32
    %mul3A_6 = arith.muli %arg1, %mul3A_5 : i32
    "tpu.region"() ({
      %run_scoped3A = tpu.sem_alloc : memref<!tpu.dma_semaphore, #tpu.memory_space<semaphore_mem>>
      %dma_start3A_39 = arith.constant 0 : i32
      %dma_start3A_40 = tpu.memref_slice %arg15[%mul3A_6, %dma_start3A_39] : memref<10240x128xf32, #tpu.memory_space<vmem_shared>> -> memref<640x128xf32, #tpu.memory_space<vmem_shared>>
      tpu.enqueue_dma source(%arg6 : memref<640x128xf32, #tpu.memory_space<hbm>>) target(%dma_start3A_40 : memref<640x128xf32, #tpu.memory_space<vmem_shared>>) target_semaphore(%run_scoped3A : memref<!tpu.dma_semaphore, #tpu.memory_space<semaphore_mem>>)
      %dma_wait3A_41 = arith.constant 0 : i32
      %dma_wait3A_42 = tpu.memref_slice %arg15[%mul3A_6, %dma_wait3A_41] : memref<10240x128xf32, #tpu.memory_space<vmem_shared>> -> memref<640x128xf32, #tpu.memory_space<vmem_shared>>
      tpu.wait_dma2 semaphore(%run_scoped3A : memref<!tpu.dma_semaphore, #tpu.memory_space<semaphore_mem>>) src(%arg6 : memref<640x128xf32, #tpu.memory_space<hbm>>) dst(%dma_wait3A_42 : memref<640x128xf32, #tpu.memory_space<vmem_shared>>)
      tpu.yield
    }) : () -> ()
    "tpu.region"() ({
      %run_scoped3A = tpu.sem_alloc : memref<!tpu.dma_semaphore, #tpu.memory_space<semaphore_mem>>
      %dma_start3A_39 = tpu.memref_slice %arg4[%add3A_4] : memref<320000xi32, #tpu.memory_space<hbm>> -> memref<5000xi32, #tpu.memory_space<hbm>>
      %dma_start3A_40 = tpu.memref_slice %arg4[%add3A_4] : memref<320000xi32, #tpu.memory_space<hbm>> -> memref<5000xi32, #tpu.memory_space<hbm>>
      tpu.enqueue_dma source(%dma_start3A_40 : memref<5000xi32, #tpu.memory_space<hbm>>) target(%arg8 : memref<5000xi32, #tpu.memory_space<vmem>>) target_semaphore(%run_scoped3A : memref<!tpu.dma_semaphore, #tpu.memory_space<semaphore_mem>>)
      %dma_wait3A_41 = tpu.memref_slice %arg4[%add3A_4] : memref<320000xi32, #tpu.memory_space<hbm>> -> memref<5000xi32, #tpu.memory_space<hbm>>
      %dma_wait3A_42 = tpu.memref_slice %arg4[%add3A_4] : memref<320000xi32, #tpu.memory_space<hbm>> -> memref<5000xi32, #tpu.memory_space<hbm>>
      tpu.wait_dma2 semaphore(%run_scoped3A : memref<!tpu.dma_semaphore, #tpu.memory_space<semaphore_mem>>) src(%dma_wait3A_42 : memref<5000xi32, #tpu.memory_space<hbm>>) dst(%arg8 : memref<5000xi32, #tpu.memory_space<vmem>>)
      tpu.yield
    }) : () -> ()
    %barrier3A = arith.constant 0 : index
    tpu.barrier barrier_id(%barrier3A)
    %add3A_7 = arith.constant 0 : i32
    %add3A_8 = arith.addi %add3A_4, %add3A_7 : i32
    %dma_start3A = tpu.memref_slice %arg5[%add3A_8] : memref<320000xi32, #tpu.memory_space<hbm>> -> memref<40xi32, #tpu.memory_space<hbm>>
    %dma_start3A_9 = tpu.memref_slice %arg5[%add3A_8] : memref<320000xi32, #tpu.memory_space<hbm>> -> memref<40xi32, #tpu.memory_space<hbm>>
    tpu.enqueue_dma source(%dma_start3A_9 : memref<40xi32, #tpu.memory_space<hbm>>) target(%arg9 : memref<40xi32, #tpu.memory_space<vmem>>) target_semaphore(%arg20 : memref<!tpu.dma_semaphore, #tpu.memory_space<semaphore_mem>>)
    %dma_start3A_10 = arith.constant 0 : i32
    %dma_start3A_11 = tpu.memref_slice %arg8[%dma_start3A_10] : memref<5000xi32, #tpu.memory_space<vmem>> -> memref<40xi32, #tpu.memory_space<vmem>>
    %dma_start3A_12 = arith.constant 0 : i32
    %dma_start3A_13 = arith.constant 0 : i32
    %dma_start3A_14 = tpu.memref_slice %arg2[%dma_start3A_12, %dma_start3A_13] : memref<10000x128xf32, #tpu.memory_space<hbm>> -> memref<10000x128xf32, #tpu.memory_space<hbm>>
    tpu.enqueue_indirect_dma source(%dma_start3A_14 : memref<10000x128xf32, #tpu.memory_space<hbm>>) target(%arg11 : memref<40x128xf32, #tpu.memory_space<vmem>>) offsets(%dma_start3A_11 : memref<40xi32, #tpu.memory_space<vmem>>) semaphore(%arg16 : memref<!tpu.dma_semaphore, #tpu.memory_space<semaphore_mem>>)
    %add3A_15 = arith.constant 0 : i32
    %add3A_16 = arith.addi %add3A, %add3A_15 : i32
    %dma_start3A_17 = arith.constant 0 : i32
    %dma_start3A_18 = tpu.memref_slice %arg3[%add3A_16, %dma_start3A_17] : memref<160000x128xf32, #tpu.memory_space<hbm>> -> memref<40x128xf32, #tpu.memory_space<hbm>>
    %dma_start3A_19 = arith.constant 0 : i32
    %dma_start3A_20 = tpu.memref_slice %arg3[%add3A_16, %dma_start3A_19] : memref<160000x128xf32, #tpu.memory_space<hbm>> -> memref<40x128xf32, #tpu.memory_space<hbm>>
    tpu.enqueue_dma source(%dma_start3A_20 : memref<40x128xf32, #tpu.memory_space<hbm>>) target(%arg13 : memref<40x128xf32, #tpu.memory_space<vmem>>) target_semaphore(%arg18 : memref<!tpu.dma_semaphore, #tpu.memory_space<semaphore_mem>>)
    %scan3A = arith.constant 0 : i32
    %scan3A_21 = arith.constant 0 : i32
    %scan3A_22 = arith.constant 63 : i32
    %scan3A_23 = arith.addi %scan3A_21, %scan3A_22 : i32
    %scan3A_24 = arith.constant 1 : i32
    scf.for %scan3A_39 = %scan3A_21 to %scan3A_23 step %scan3A_24  : i32 {
      %mul3A_40 = arith.constant 2 : i32
      %mul3A_41 = arith.muli %mul3A_40, %scan3A_39 : i32
      %add3A_42 = arith.constant 1 : i32
      %add3A_43 = arith.addi %mul3A_41, %add3A_42 : i32
      %lt3A = arith.constant 125 : i32
      %lt3A_44 = arith.cmpi slt, %add3A_43, %lt3A : i32
      %convert_element_type3A = arith.extui %lt3A_44 : i1 to i32
      %cond3A = arith.constant 0 : i32
      %cond3A_45 = arith.cmpi ne, %convert_element_type3A, %cond3A : i32
      scf.if %cond3A_45 {
        %ge3A = arith.constant 2 : i32
        %ge3A_63 = arith.cmpi sge, %add3A_43, %ge3A : i32
        %convert_element_type3A_64 = arith.extui %ge3A_63 : i1 to i32
        %cond3A_65 = arith.constant 0 : i32
        %cond3A_66 = arith.cmpi ne, %convert_element_type3A_64, %cond3A_65 : i32
        scf.if %cond3A_66 {
          %dma_wait3A_85 = arith.constant 0 : i32
          %dma_wait3A_86 = arith.constant 0 : i32
          %dma_wait3A_87 = tpu.memref_slice %arg15[%dma_wait3A_85, %dma_wait3A_86] : memref<10240x128xf32, #tpu.memory_space<vmem_shared>> -> memref<10240x128xf32, #tpu.memory_space<vmem_shared>>
          tpu.wait_indirect_dma semaphore(%arg23 : memref<!tpu.dma_semaphore, #tpu.memory_space<semaphore_mem>>) src(%arg12 : memref<40x128xf32, #tpu.memory_space<vmem>>) dst(%dma_wait3A_87 : memref<10240x128xf32, #tpu.memory_space<vmem_shared>>)
        } else {
        }
        %mul3A_67 = arith.constant 40 : i32
        %mul3A_68 = arith.muli %add3A_43, %mul3A_67 : i32
        %add3A_69 = arith.addi %add3A_4, %mul3A_68 : i32
        %dma_start3A_70 = tpu.memref_slice %arg5[%add3A_69] : memref<320000xi32, #tpu.memory_space<hbm>> -> memref<40xi32, #tpu.memory_space<hbm>>
        %dma_start3A_71 = tpu.memref_slice %arg5[%add3A_69] : memref<320000xi32, #tpu.memory_space<hbm>> -> memref<40xi32, #tpu.memory_space<hbm>>
        tpu.enqueue_dma source(%dma_start3A_71 : memref<40xi32, #tpu.memory_space<hbm>>) target(%arg10 : memref<40xi32, #tpu.memory_space<vmem>>) target_semaphore(%arg21 : memref<!tpu.dma_semaphore, #tpu.memory_space<semaphore_mem>>)
        %mul3A_72 = arith.constant 40 : i32
        %mul3A_73 = arith.muli %add3A_43, %mul3A_72 : i32
        %dma_start3A_74 = tpu.memref_slice %arg8[%mul3A_73] : memref<5000xi32, #tpu.memory_space<vmem>> -> memref<40xi32, #tpu.memory_space<vmem>>
        %dma_start3A_75 = arith.constant 0 : i32
        %dma_start3A_76 = arith.constant 0 : i32
        %dma_start3A_77 = tpu.memref_slice %arg2[%dma_start3A_75, %dma_start3A_76] : memref<10000x128xf32, #tpu.memory_space<hbm>> -> memref<10000x128xf32, #tpu.memory_space<hbm>>
        tpu.enqueue_indirect_dma source(%dma_start3A_77 : memref<10000x128xf32, #tpu.memory_space<hbm>>) target(%arg12 : memref<40x128xf32, #tpu.memory_space<vmem>>) offsets(%dma_start3A_74 : memref<40xi32, #tpu.memory_space<vmem>>) semaphore(%arg17 : memref<!tpu.dma_semaphore, #tpu.memory_space<semaphore_mem>>)
        %mul3A_78 = arith.constant 40 : i32
        %mul3A_79 = arith.muli %add3A_43, %mul3A_78 : i32
        %add3A_80 = arith.addi %add3A, %mul3A_79 : i32
        %dma_start3A_81 = arith.constant 0 : i32
        %dma_start3A_82 = tpu.memref_slice %arg3[%add3A_80, %dma_start3A_81] : memref<160000x128xf32, #tpu.memory_space<hbm>> -> memref<40x128xf32, #tpu.memory_space<hbm>>
        %dma_start3A_83 = arith.constant 0 : i32
        %dma_start3A_84 = tpu.memref_slice %arg3[%add3A_80, %dma_start3A_83] : memref<160000x128xf32, #tpu.memory_space<hbm>> -> memref<40x128xf32, #tpu.memory_space<hbm>>
        tpu.enqueue_dma source(%dma_start3A_84 : memref<40x128xf32, #tpu.memory_space<hbm>>) target(%arg14 : memref<40x128xf32, #tpu.memory_space<vmem>>) target_semaphore(%arg19 : memref<!tpu.dma_semaphore, #tpu.memory_space<semaphore_mem>>)
      } else {
      }
      %lt3A_46 = arith.constant 125 : i32
      %lt3A_47 = arith.cmpi slt, %mul3A_41, %lt3A_46 : i32
      %convert_element_type3A_48 = arith.extui %lt3A_47 : i1 to i32
      %cond3A_49 = arith.constant 0 : i32
      %cond3A_50 = arith.cmpi ne, %convert_element_type3A_48, %cond3A_49 : i32
      scf.if %cond3A_50 {
        %mul3A_63 = arith.constant 40 : i32
        %mul3A_64 = arith.muli %mul3A_41, %mul3A_63 : i32
        %dma_wait3A_65 = tpu.memref_slice %arg8[%mul3A_64] : memref<5000xi32, #tpu.memory_space<vmem>> -> memref<40xi32, #tpu.memory_space<vmem>>
        %dma_wait3A_66 = arith.constant 0 : i32
        %dma_wait3A_67 = arith.constant 0 : i32
        %dma_wait3A_68 = tpu.memref_slice %arg2[%dma_wait3A_66, %dma_wait3A_67] : memref<10000x128xf32, #tpu.memory_space<hbm>> -> memref<10000x128xf32, #tpu.memory_space<hbm>>
        tpu.wait_indirect_dma semaphore(%arg16 : memref<!tpu.dma_semaphore, #tpu.memory_space<semaphore_mem>>) src(%dma_wait3A_68 : memref<10000x128xf32, #tpu.memory_space<hbm>>) dst(%arg11 : memref<40x128xf32, #tpu.memory_space<vmem>>)
        %mul3A_69 = arith.constant 40 : i32
        %mul3A_70 = arith.muli %mul3A_41, %mul3A_69 : i32
        %add3A_71 = arith.addi %add3A, %mul3A_70 : i32
        %dma_wait3A_72 = arith.constant 0 : i32
        %dma_wait3A_73 = tpu.memref_slice %arg3[%add3A_71, %dma_wait3A_72] : memref<160000x128xf32, #tpu.memory_space<hbm>> -> memref<40x128xf32, #tpu.memory_space<hbm>>
        %dma_wait3A_74 = arith.constant 0 : i32
        %dma_wait3A_75 = tpu.memref_slice %arg3[%add3A_71, %dma_wait3A_74] : memref<160000x128xf32, #tpu.memory_space<hbm>> -> memref<40x128xf32, #tpu.memory_space<hbm>>
        tpu.wait_dma2 semaphore(%arg18 : memref<!tpu.dma_semaphore, #tpu.memory_space<semaphore_mem>>) src(%dma_wait3A_75 : memref<40x128xf32, #tpu.memory_space<hbm>>) dst(%arg13 : memref<40x128xf32, #tpu.memory_space<vmem>>)
        %scan3A_76 = arith.constant 0 : i32
        %scan3A_77 = arith.constant 0 : i32
        %scan3A_78 = arith.constant 40 : i32
        %scan3A_79 = arith.addi %scan3A_77, %scan3A_78 : i32
        %scan3A_80 = arith.constant 1 : i32
        scf.for %scan3A_90 = %scan3A_77 to %scan3A_79 step %scan3A_80  : i32 {
          %get3A = arith.index_cast %scan3A_90 : i32 to index
          %get3A_91 = arith.constant 0 : index
          %get3A_92 = tpu.vector_load %arg11[%get3A, %get3A_91] {strides = array<i32>} : memref<40x128xf32, #tpu.memory_space<vmem>>, vector<1x16xf32>,
          %get3A_93 = vector.shape_cast %get3A_92 : vector<1x16xf32> to vector<16xf32>
          %get3A_94 = arith.index_cast %scan3A_90 : i32 to index
          %get3A_95 = arith.constant 0 : index
          %get3A_96 = tpu.vector_load %arg13[%get3A_94, %get3A_95] {strides = array<i32>} : memref<40x128xf32, #tpu.memory_space<vmem>>, vector<1x16xf32>,
          %get3A_97 = vector.shape_cast %get3A_96 : vector<1x16xf32> to vector<16xf32>
          %mul3A_98 = arith.mulf %get3A_93, %get3A_97 : vector<16xf32>
          %swap3A = arith.index_cast %scan3A_90 : i32 to index
          %swap3A_99 = arith.constant 0 : index
          %swap3A_100 = tpu.vector_load %arg11[%swap3A, %swap3A_99] {strides = array<i32>} : memref<40x128xf32, #tpu.memory_space<vmem>>, vector<1x16xf32>,
          %swap3A_101 = vector.shape_cast %swap3A_100 : vector<1x16xf32> to vector<16xf32>
          %swap3A_102 = vector.shape_cast %mul3A_98 : vector<16xf32> to vector<1x16xf32>
          tpu.vector_store %arg11[%swap3A, %swap3A_99], %swap3A_102 {strides = array<i32>} : memref<40x128xf32, #tpu.memory_space<vmem>>, vector<1x16xf32>,
          %get3A_103 = arith.index_cast %scan3A_90 : i32 to index
          %get3A_104 = arith.constant 16 : index
          %get3A_105 = tpu.vector_load %arg11[%get3A_103, %get3A_104] {strides = array<i32>} : memref<40x128xf32, #tpu.memory_space<vmem>>, vector<1x16xf32>,
          %get3A_106 = vector.shape_cast %get3A_105 : vector<1x16xf32> to vector<16xf32>
          %get3A_107 = arith.index_cast %scan3A_90 : i32 to index
          %get3A_108 = arith.constant 16 : index
          %get3A_109 = tpu.vector_load %arg13[%get3A_107, %get3A_108] {strides = array<i32>} : memref<40x128xf32, #tpu.memory_space<vmem>>, vector<1x16xf32>,
          %get3A_110 = vector.shape_cast %get3A_109 : vector<1x16xf32> to vector<16xf32>
          %mul3A_111 = arith.mulf %get3A_106, %get3A_110 : vector<16xf32>
          %swap3A_112 = arith.index_cast %scan3A_90 : i32 to index
          %swap3A_113 = arith.constant 16 : index
          %swap3A_114 = tpu.vector_load %arg11[%swap3A_112, %swap3A_113] {strides = array<i32>} : memref<40x128xf32, #tpu.memory_space<vmem>>, vector<1x16xf32>,
          %swap3A_115 = vector.shape_cast %swap3A_114 : vector<1x16xf32> to vector<16xf32>
          %swap3A_116 = vector.shape_cast %mul3A_111 : vector<16xf32> to vector<1x16xf32>
          tpu.vector_store %arg11[%swap3A_112, %swap3A_113], %swap3A_116 {strides = array<i32>} : memref<40x128xf32, #tpu.memory_space<vmem>>, vector<1x16xf32>,
          %get3A_117 = arith.index_cast %scan3A_90 : i32 to index
          %get3A_118 = arith.constant 32 : index
          %get3A_119 = tpu.vector_load %arg11[%get3A_117, %get3A_118] {strides = array<i32>} : memref<40x128xf32, #tpu.memory_space<vmem>>, vector<1x16xf32>,
          %get3A_120 = vector.shape_cast %get3A_119 : vector<1x16xf32> to vector<16xf32>
          %get3A_121 = arith.index_cast %scan3A_90 : i32 to index
          %get3A_122 = arith.constant 32 : index
          %get3A_123 = tpu.vector_load %arg13[%get3A_121, %get3A_122] {strides = array<i32>} : memref<40x128xf32, #tpu.memory_space<vmem>>, vector<1x16xf32>,
          %get3A_124 = vector.shape_cast %get3A_123 : vector<1x16xf32> to vector<16xf32>
          %mul3A_125 = arith.mulf %get3A_120, %get3A_124 : vector<16xf32>
          %swap3A_126 = arith.index_cast %scan3A_90 : i32 to index
          %swap3A_127 = arith.constant 32 : index
          %swap3A_128 = tpu.vector_load %arg11[%swap3A_126, %swap3A_127] {strides = array<i32>} : memref<40x128xf32, #tpu.memory_space<vmem>>, vector<1x16xf32>,
          %swap3A_129 = vector.shape_cast %swap3A_128 : vector<1x16xf32> to vector<16xf32>
          %swap3A_130 = vector.shape_cast %mul3A_125 : vector<16xf32> to vector<1x16xf32>
          tpu.vector_store %arg11[%swap3A_126, %swap3A_127], %swap3A_130 {strides = array<i32>} : memref<40x128xf32, #tpu.memory_space<vmem>>, vector<1x16xf32>,
          %get3A_131 = arith.index_cast %scan3A_90 : i32 to index
          %get3A_132 = arith.constant 48 : index
          %get3A_133 = tpu.vector_load %arg11[%get3A_131, %get3A_132] {strides = array<i32>} : memref<40x128xf32, #tpu.memory_space<vmem>>, vector<1x16xf32>,
          %get3A_134 = vector.shape_cast %get3A_133 : vector<1x16xf32> to vector<16xf32>
          %get3A_135 = arith.index_cast %scan3A_90 : i32 to index
          %get3A_136 = arith.constant 48 : index
          %get3A_137 = tpu.vector_load %arg13[%get3A_135, %get3A_136] {strides = array<i32>} : memref<40x128xf32, #tpu.memory_space<vmem>>, vector<1x16xf32>,
          %get3A_138 = vector.shape_cast %get3A_137 : vector<1x16xf32> to vector<16xf32>
          %mul3A_139 = arith.mulf %get3A_134, %get3A_138 : vector<16xf32>
          %swap3A_140 = arith.index_cast %scan3A_90 : i32 to index
          %swap3A_141 = arith.constant 48 : index
          %swap3A_142 = tpu.vector_load %arg11[%swap3A_140, %swap3A_141] {strides = array<i32>} : memref<40x128xf32, #tpu.memory_space<vmem>>, vector<1x16xf32>,
          %swap3A_143 = vector.shape_cast %swap3A_142 : vector<1x16xf32> to vector<16xf32>
          %swap3A_144 = vector.shape_cast %mul3A_139 : vector<16xf32> to vector<1x16xf32>
          tpu.vector_store %arg11[%swap3A_140, %swap3A_141], %swap3A_144 {strides = array<i32>} : memref<40x128xf32, #tpu.memory_space<vmem>>, vector<1x16xf32>,
          %get3A_145 = arith.index_cast %scan3A_90 : i32 to index
          %get3A_146 = arith.constant 64 : index
          %get3A_147 = tpu.vector_load %arg11[%get3A_145, %get3A_146] {strides = array<i32>} : memref<40x128xf32, #tpu.memory_space<vmem>>, vector<1x16xf32>,
          %get3A_148 = vector.shape_cast %get3A_147 : vector<1x16xf32> to vector<16xf32>
          %get3A_149 = arith.index_cast %scan3A_90 : i32 to index
          %get3A_150 = arith.constant 64 : index
          %get3A_151 = tpu.vector_load %arg13[%get3A_149, %get3A_150] {strides = array<i32>} : memref<40x128xf32, #tpu.memory_space<vmem>>, vector<1x16xf32>,
          %get3A_152 = vector.shape_cast %get3A_151 : vector<1x16xf32> to vector<16xf32>
          %mul3A_153 = arith.mulf %get3A_148, %get3A_152 : vector<16xf32>
          %swap3A_154 = arith.index_cast %scan3A_90 : i32 to index
          %swap3A_155 = arith.constant 64 : index
          %swap3A_156 = tpu.vector_load %arg11[%swap3A_154, %swap3A_155] {strides = array<i32>} : memref<40x128xf32, #tpu.memory_space<vmem>>, vector<1x16xf32>,
          %swap3A_157 = vector.shape_cast %swap3A_156 : vector<1x16xf32> to vector<16xf32>
          %swap3A_158 = vector.shape_cast %mul3A_153 : vector<16xf32> to vector<1x16xf32>
          tpu.vector_store %arg11[%swap3A_154, %swap3A_155], %swap3A_158 {strides = array<i32>} : memref<40x128xf32, #tpu.memory_space<vmem>>, vector<1x16xf32>,
          %get3A_159 = arith.index_cast %scan3A_90 : i32 to index
          %get3A_160 = arith.constant 80 : index
          %get3A_161 = tpu.vector_load %arg11[%get3A_159, %get3A_160] {strides = array<i32>} : memref<40x128xf32, #tpu.memory_space<vmem>>, vector<1x16xf32>,
          %get3A_162 = vector.shape_cast %get3A_161 : vector<1x16xf32> to vector<16xf32>
          %get3A_163 = arith.index_cast %scan3A_90 : i32 to index
          %get3A_164 = arith.constant 80 : index
          %get3A_165 = tpu.vector_load %arg13[%get3A_163, %get3A_164] {strides = array<i32>} : memref<40x128xf32, #tpu.memory_space<vmem>>, vector<1x16xf32>,
          %get3A_166 = vector.shape_cast %get3A_165 : vector<1x16xf32> to vector<16xf32>
          %mul3A_167 = arith.mulf %get3A_162, %get3A_166 : vector<16xf32>
          %swap3A_168 = arith.index_cast %scan3A_90 : i32 to index
          %swap3A_169 = arith.constant 80 : index
          %swap3A_170 = tpu.vector_load %arg11[%swap3A_168, %swap3A_169] {strides = array<i32>} : memref<40x128xf32, #tpu.memory_space<vmem>>, vector<1x16xf32>,
          %swap3A_171 = vector.shape_cast %swap3A_170 : vector<1x16xf32> to vector<16xf32>
          %swap3A_172 = vector.shape_cast %mul3A_167 : vector<16xf32> to vector<1x16xf32>
          tpu.vector_store %arg11[%swap3A_168, %swap3A_169], %swap3A_172 {strides = array<i32>} : memref<40x128xf32, #tpu.memory_space<vmem>>, vector<1x16xf32>,
          %get3A_173 = arith.index_cast %scan3A_90 : i32 to index
          %get3A_174 = arith.constant 96 : index
          %get3A_175 = tpu.vector_load %arg11[%get3A_173, %get3A_174] {strides = array<i32>} : memref<40x128xf32, #tpu.memory_space<vmem>>, vector<1x16xf32>,
          %get3A_176 = vector.shape_cast %get3A_175 : vector<1x16xf32> to vector<16xf32>
          %get3A_177 = arith.index_cast %scan3A_90 : i32 to index
          %get3A_178 = arith.constant 96 : index
          %get3A_179 = tpu.vector_load %arg13[%get3A_177, %get3A_178] {strides = array<i32>} : memref<40x128xf32, #tpu.memory_space<vmem>>, vector<1x16xf32>,
          %get3A_180 = vector.shape_cast %get3A_179 : vector<1x16xf32> to vector<16xf32>
          %mul3A_181 = arith.mulf %get3A_176, %get3A_180 : vector<16xf32>
          %swap3A_182 = arith.index_cast %scan3A_90 : i32 to index
          %swap3A_183 = arith.constant 96 : index
          %swap3A_184 = tpu.vector_load %arg11[%swap3A_182, %swap3A_183] {strides = array<i32>} : memref<40x128xf32, #tpu.memory_space<vmem>>, vector<1x16xf32>,
          %swap3A_185 = vector.shape_cast %swap3A_184 : vector<1x16xf32> to vector<16xf32>
          %swap3A_186 = vector.shape_cast %mul3A_181 : vector<16xf32> to vector<1x16xf32>
          tpu.vector_store %arg11[%swap3A_182, %swap3A_183], %swap3A_186 {strides = array<i32>} : memref<40x128xf32, #tpu.memory_space<vmem>>, vector<1x16xf32>,
          %get3A_187 = arith.index_cast %scan3A_90 : i32 to index
          %get3A_188 = arith.constant 112 : index
          %get3A_189 = tpu.vector_load %arg11[%get3A_187, %get3A_188] {strides = array<i32>} : memref<40x128xf32, #tpu.memory_space<vmem>>, vector<1x16xf32>,
          %get3A_190 = vector.shape_cast %get3A_189 : vector<1x16xf32> to vector<16xf32>
          %get3A_191 = arith.index_cast %scan3A_90 : i32 to index
          %get3A_192 = arith.constant 112 : index
          %get3A_193 = tpu.vector_load %arg13[%get3A_191, %get3A_192] {strides = array<i32>} : memref<40x128xf32, #tpu.memory_space<vmem>>, vector<1x16xf32>,
          %get3A_194 = vector.shape_cast %get3A_193 : vector<1x16xf32> to vector<16xf32>
          %mul3A_195 = arith.mulf %get3A_190, %get3A_194 : vector<16xf32>
          %swap3A_196 = arith.index_cast %scan3A_90 : i32 to index
          %swap3A_197 = arith.constant 112 : index
          %swap3A_198 = tpu.vector_load %arg11[%swap3A_196, %swap3A_197] {strides = array<i32>} : memref<40x128xf32, #tpu.memory_space<vmem>>, vector<1x16xf32>,
          %swap3A_199 = vector.shape_cast %swap3A_198 : vector<1x16xf32> to vector<16xf32>
          %swap3A_200 = vector.shape_cast %mul3A_195 : vector<16xf32> to vector<1x16xf32>
          tpu.vector_store %arg11[%swap3A_196, %swap3A_197], %swap3A_200 {strides = array<i32>} : memref<40x128xf32, #tpu.memory_space<vmem>>, vector<1x16xf32>,
        }
        %scan3A_81 = arith.constant 40 : i32
        %mul3A_82 = arith.constant 40 : i32
        %mul3A_83 = arith.muli %mul3A_41, %mul3A_82 : i32
        %add3A_84 = arith.addi %add3A_4, %mul3A_83 : i32
        %dma_wait3A_85 = tpu.memref_slice %arg5[%add3A_84] : memref<320000xi32, #tpu.memory_space<hbm>> -> memref<40xi32, #tpu.memory_space<hbm>>
        %dma_wait3A_86 = tpu.memref_slice %arg5[%add3A_84] : memref<320000xi32, #tpu.memory_space<hbm>> -> memref<40xi32, #tpu.memory_space<hbm>>
        tpu.wait_dma2 semaphore(%arg20 : memref<!tpu.dma_semaphore, #tpu.memory_space<semaphore_mem>>) src(%dma_wait3A_86 : memref<40xi32, #tpu.memory_space<hbm>>) dst(%arg9 : memref<40xi32, #tpu.memory_space<vmem>>)
        %dma_start3A_87 = arith.constant 0 : i32
        %dma_start3A_88 = arith.constant 0 : i32
        %dma_start3A_89 = tpu.memref_slice %arg15[%dma_start3A_87, %dma_start3A_88] : memref<10240x128xf32, #tpu.memory_space<vmem_shared>> -> memref<10240x128xf32, #tpu.memory_space<vmem_shared>>
        tpu.enqueue_indirect_dma source(%arg11 : memref<40x128xf32, #tpu.memory_space<vmem>>) target(%dma_start3A_89 : memref<10240x128xf32, #tpu.memory_space<vmem_shared>>) offsets(%arg9 : memref<40xi32, #tpu.memory_space<vmem>>) semaphore(%arg22 : memref<!tpu.dma_semaphore, #tpu.memory_space<semaphore_mem>>) {add = true}
      } else {
      }
      %add3A_51 = arith.constant 2 : i32
      %add3A_52 = arith.addi %mul3A_41, %add3A_51 : i32
      %lt3A_53 = arith.constant 125 : i32
      %lt3A_54 = arith.cmpi slt, %add3A_52, %lt3A_53 : i32
      %convert_element_type3A_55 = arith.extui %lt3A_54 : i1 to i32
      %cond3A_56 = arith.constant 0 : i32
      %cond3A_57 = arith.cmpi ne, %convert_element_type3A_55, %cond3A_56 : i32
      scf.if %cond3A_57 {
        %ge3A = arith.constant 2 : i32
        %ge3A_63 = arith.cmpi sge, %add3A_52, %ge3A : i32
        %convert_element_type3A_64 = arith.extui %ge3A_63 : i1 to i32
        %cond3A_65 = arith.constant 0 : i32
        %cond3A_66 = arith.cmpi ne, %convert_element_type3A_64, %cond3A_65 : i32
        scf.if %cond3A_66 {
          %dma_wait3A_85 = arith.constant 0 : i32
          %dma_wait3A_86 = arith.constant 0 : i32
          %dma_wait3A_87 = tpu.memref_slice %arg15[%dma_wait3A_85, %dma_wait3A_86] : memref<10240x128xf32, #tpu.memory_space<vmem_shared>> -> memref<10240x128xf32, #tpu.memory_space<vmem_shared>>
          tpu.wait_indirect_dma semaphore(%arg22 : memref<!tpu.dma_semaphore, #tpu.memory_space<semaphore_mem>>) src(%arg11 : memref<40x128xf32, #tpu.memory_space<vmem>>) dst(%dma_wait3A_87 : memref<10240x128xf32, #tpu.memory_space<vmem_shared>>)
        } else {
        }
        %mul3A_67 = arith.constant 40 : i32
        %mul3A_68 = arith.muli %add3A_52, %mul3A_67 : i32
        %add3A_69 = arith.addi %add3A_4, %mul3A_68 : i32
        %dma_start3A_70 = tpu.memref_slice %arg5[%add3A_69] : memref<320000xi32, #tpu.memory_space<hbm>> -> memref<40xi32, #tpu.memory_space<hbm>>
        %dma_start3A_71 = tpu.memref_slice %arg5[%add3A_69] : memref<320000xi32, #tpu.memory_space<hbm>> -> memref<40xi32, #tpu.memory_space<hbm>>
        tpu.enqueue_dma source(%dma_start3A_71 : memref<40xi32, #tpu.memory_space<hbm>>) target(%arg9 : memref<40xi32, #tpu.memory_space<vmem>>) target_semaphore(%arg20 : memref<!tpu.dma_semaphore, #tpu.memory_space<semaphore_mem>>)
        %mul3A_72 = arith.constant 40 : i32
        %mul3A_73 = arith.muli %add3A_52, %mul3A_72 : i32
        %dma_start3A_74 = tpu.memref_slice %arg8[%mul3A_73] : memref<5000xi32, #tpu.memory_space<vmem>> -> memref<40xi32, #tpu.memory_space<vmem>>
        %dma_start3A_75 = arith.constant 0 : i32
        %dma_start3A_76 = arith.constant 0 : i32
        %dma_start3A_77 = tpu.memref_slice %arg2[%dma_start3A_75, %dma_start3A_76] : memref<10000x128xf32, #tpu.memory_space<hbm>> -> memref<10000x128xf32, #tpu.memory_space<hbm>>
        tpu.enqueue_indirect_dma source(%dma_start3A_77 : memref<10000x128xf32, #tpu.memory_space<hbm>>) target(%arg11 : memref<40x128xf32, #tpu.memory_space<vmem>>) offsets(%dma_start3A_74 : memref<40xi32, #tpu.memory_space<vmem>>) semaphore(%arg16 : memref<!tpu.dma_semaphore, #tpu.memory_space<semaphore_mem>>)
        %mul3A_78 = arith.constant 40 : i32
        %mul3A_79 = arith.muli %add3A_52, %mul3A_78 : i32
        %add3A_80 = arith.addi %add3A, %mul3A_79 : i32
        %dma_start3A_81 = arith.constant 0 : i32
        %dma_start3A_82 = tpu.memref_slice %arg3[%add3A_80, %dma_start3A_81] : memref<160000x128xf32, #tpu.memory_space<hbm>> -> memref<40x128xf32, #tpu.memory_space<hbm>>
        %dma_start3A_83 = arith.constant 0 : i32
        %dma_start3A_84 = tpu.memref_slice %arg3[%add3A_80, %dma_start3A_83] : memref<160000x128xf32, #tpu.memory_space<hbm>> -> memref<40x128xf32, #tpu.memory_space<hbm>>
        tpu.enqueue_dma source(%dma_start3A_84 : memref<40x128xf32, #tpu.memory_space<hbm>>) target(%arg13 : memref<40x128xf32, #tpu.memory_space<vmem>>) target_semaphore(%arg18 : memref<!tpu.dma_semaphore, #tpu.memory_space<semaphore_mem>>)
      } else {
      }
      %lt3A_58 = arith.constant 125 : i32
      %lt3A_59 = arith.cmpi slt, %add3A_43, %lt3A_58 : i32
      %convert_element_type3A_60 = arith.extui %lt3A_59 : i1 to i32
      %cond3A_61 = arith.constant 0 : i32
      %cond3A_62 = arith.cmpi ne, %convert_element_type3A_60, %cond3A_61 : i32
      scf.if %cond3A_62 {
        %mul3A_63 = arith.constant 40 : i32
        %mul3A_64 = arith.muli %add3A_43, %mul3A_63 : i32
        %dma_wait3A_65 = tpu.memref_slice %arg8[%mul3A_64] : memref<5000xi32, #tpu.memory_space<vmem>> -> memref<40xi32, #tpu.memory_space<vmem>>
        %dma_wait3A_66 = arith.constant 0 : i32
        %dma_wait3A_67 = arith.constant 0 : i32
        %dma_wait3A_68 = tpu.memref_slice %arg2[%dma_wait3A_66, %dma_wait3A_67] : memref<10000x128xf32, #tpu.memory_space<hbm>> -> memref<10000x128xf32, #tpu.memory_space<hbm>>
        tpu.wait_indirect_dma semaphore(%arg17 : memref<!tpu.dma_semaphore, #tpu.memory_space<semaphore_mem>>) src(%dma_wait3A_68 : memref<10000x128xf32, #tpu.memory_space<hbm>>) dst(%arg12 : memref<40x128xf32, #tpu.memory_space<vmem>>)
        %mul3A_69 = arith.constant 40 : i32
        %mul3A_70 = arith.muli %add3A_43, %mul3A_69 : i32
        %add3A_71 = arith.addi %add3A, %mul3A_70 : i32
        %dma_wait3A_72 = arith.constant 0 : i32
        %dma_wait3A_73 = tpu.memref_slice %arg3[%add3A_71, %dma_wait3A_72] : memref<160000x128xf32, #tpu.memory_space<hbm>> -> memref<40x128xf32, #tpu.memory_space<hbm>>
        %dma_wait3A_74 = arith.constant 0 : i32
        %dma_wait3A_75 = tpu.memref_slice %arg3[%add3A_71, %dma_wait3A_74] : memref<160000x128xf32, #tpu.memory_space<hbm>> -> memref<40x128xf32, #tpu.memory_space<hbm>>
        tpu.wait_dma2 semaphore(%arg19 : memref<!tpu.dma_semaphore, #tpu.memory_space<semaphore_mem>>) src(%dma_wait3A_75 : memref<40x128xf32, #tpu.memory_space<hbm>>) dst(%arg14 : memref<40x128xf32, #tpu.memory_space<vmem>>)
        %scan3A_76 = arith.constant 0 : i32
        %scan3A_77 = arith.constant 0 : i32
        %scan3A_78 = arith.constant 40 : i32
        %scan3A_79 = arith.addi %scan3A_77, %scan3A_78 : i32
        %scan3A_80 = arith.constant 1 : i32
        scf.for %scan3A_90 = %scan3A_77 to %scan3A_79 step %scan3A_80  : i32 {
          %get3A = arith.index_cast %scan3A_90 : i32 to index
          %get3A_91 = arith.constant 0 : index
          %get3A_92 = tpu.vector_load %arg12[%get3A, %get3A_91] {strides = array<i32>} : memref<40x128xf32, #tpu.memory_space<vmem>>, vector<1x16xf32>,
          %get3A_93 = vector.shape_cast %get3A_92 : vector<1x16xf32> to vector<16xf32>
          %get3A_94 = arith.index_cast %scan3A_90 : i32 to index
          %get3A_95 = arith.constant 0 : index
          %get3A_96 = tpu.vector_load %arg14[%get3A_94, %get3A_95] {strides = array<i32>} : memref<40x128xf32, #tpu.memory_space<vmem>>, vector<1x16xf32>,
          %get3A_97 = vector.shape_cast %get3A_96 : vector<1x16xf32> to vector<16xf32>
          %mul3A_98 = arith.mulf %get3A_93, %get3A_97 : vector<16xf32>
          %swap3A = arith.index_cast %scan3A_90 : i32 to index
          %swap3A_99 = arith.constant 0 : index
          %swap3A_100 = tpu.vector_load %arg12[%swap3A, %swap3A_99] {strides = array<i32>} : memref<40x128xf32, #tpu.memory_space<vmem>>, vector<1x16xf32>,
          %swap3A_101 = vector.shape_cast %swap3A_100 : vector<1x16xf32> to vector<16xf32>
          %swap3A_102 = vector.shape_cast %mul3A_98 : vector<16xf32> to vector<1x16xf32>
          tpu.vector_store %arg12[%swap3A, %swap3A_99], %swap3A_102 {strides = array<i32>} : memref<40x128xf32, #tpu.memory_space<vmem>>, vector<1x16xf32>,
          %get3A_103 = arith.index_cast %scan3A_90 : i32 to index
          %get3A_104 = arith.constant 16 : index
          %get3A_105 = tpu.vector_load %arg12[%get3A_103, %get3A_104] {strides = array<i32>} : memref<40x128xf32, #tpu.memory_space<vmem>>, vector<1x16xf32>,
          %get3A_106 = vector.shape_cast %get3A_105 : vector<1x16xf32> to vector<16xf32>
          %get3A_107 = arith.index_cast %scan3A_90 : i32 to index
          %get3A_108 = arith.constant 16 : index
          %get3A_109 = tpu.vector_load %arg14[%get3A_107, %get3A_108] {strides = array<i32>} : memref<40x128xf32, #tpu.memory_space<vmem>>, vector<1x16xf32>,
          %get3A_110 = vector.shape_cast %get3A_109 : vector<1x16xf32> to vector<16xf32>
          %mul3A_111 = arith.mulf %get3A_106, %get3A_110 : vector<16xf32>
          %swap3A_112 = arith.index_cast %scan3A_90 : i32 to index
          %swap3A_113 = arith.constant 16 : index
          %swap3A_114 = tpu.vector_load %arg12[%swap3A_112, %swap3A_113] {strides = array<i32>} : memref<40x128xf32, #tpu.memory_space<vmem>>, vector<1x16xf32>,
          %swap3A_115 = vector.shape_cast %swap3A_114 : vector<1x16xf32> to vector<16xf32>
          %swap3A_116 = vector.shape_cast %mul3A_111 : vector<16xf32> to vector<1x16xf32>
          tpu.vector_store %arg12[%swap3A_112, %swap3A_113], %swap3A_116 {strides = array<i32>} : memref<40x128xf32, #tpu.memory_space<vmem>>, vector<1x16xf32>,
          %get3A_117 = arith.index_cast %scan3A_90 : i32 to index
          %get3A_118 = arith.constant 32 : index
          %get3A_119 = tpu.vector_load %arg12[%get3A_117, %get3A_118] {strides = array<i32>} : memref<40x128xf32, #tpu.memory_space<vmem>>, vector<1x16xf32>,
          %get3A_120 = vector.shape_cast %get3A_119 : vector<1x16xf32> to vector<16xf32>
          %get3A_121 = arith.index_cast %scan3A_90 : i32 to index
          %get3A_122 = arith.constant 32 : index
          %get3A_123 = tpu.vector_load %arg14[%get3A_121, %get3A_122] {strides = array<i32>} : memref<40x128xf32, #tpu.memory_space<vmem>>, vector<1x16xf32>,
          %get3A_124 = vector.shape_cast %get3A_123 : vector<1x16xf32> to vector<16xf32>
          %mul3A_125 = arith.mulf %get3A_120, %get3A_124 : vector<16xf32>
          %swap3A_126 = arith.index_cast %scan3A_90 : i32 to index
          %swap3A_127 = arith.constant 32 : index
          %swap3A_128 = tpu.vector_load %arg12[%swap3A_126, %swap3A_127] {strides = array<i32>} : memref<40x128xf32, #tpu.memory_space<vmem>>, vector<1x16xf32>,
          %swap3A_129 = vector.shape_cast %swap3A_128 : vector<1x16xf32> to vector<16xf32>
          %swap3A_130 = vector.shape_cast %mul3A_125 : vector<16xf32> to vector<1x16xf32>
          tpu.vector_store %arg12[%swap3A_126, %swap3A_127], %swap3A_130 {strides = array<i32>} : memref<40x128xf32, #tpu.memory_space<vmem>>, vector<1x16xf32>,
          %get3A_131 = arith.index_cast %scan3A_90 : i32 to index
          %get3A_132 = arith.constant 48 : index
          %get3A_133 = tpu.vector_load %arg12[%get3A_131, %get3A_132] {strides = array<i32>} : memref<40x128xf32, #tpu.memory_space<vmem>>, vector<1x16xf32>,
          %get3A_134 = vector.shape_cast %get3A_133 : vector<1x16xf32> to vector<16xf32>
          %get3A_135 = arith.index_cast %scan3A_90 : i32 to index
          %get3A_136 = arith.constant 48 : index
          %get3A_137 = tpu.vector_load %arg14[%get3A_135, %get3A_136] {strides = array<i32>} : memref<40x128xf32, #tpu.memory_space<vmem>>, vector<1x16xf32>,
          %get3A_138 = vector.shape_cast %get3A_137 : vector<1x16xf32> to vector<16xf32>
          %mul3A_139 = arith.mulf %get3A_134, %get3A_138 : vector<16xf32>
          %swap3A_140 = arith.index_cast %scan3A_90 : i32 to index
          %swap3A_141 = arith.constant 48 : index
          %swap3A_142 = tpu.vector_load %arg12[%swap3A_140, %swap3A_141] {strides = array<i32>} : memref<40x128xf32, #tpu.memory_space<vmem>>, vector<1x16xf32>,
          %swap3A_143 = vector.shape_cast %swap3A_142 : vector<1x16xf32> to vector<16xf32>
          %swap3A_144 = vector.shape_cast %mul3A_139 : vector<16xf32> to vector<1x16xf32>
          tpu.vector_store %arg12[%swap3A_140, %swap3A_141], %swap3A_144 {strides = array<i32>} : memref<40x128xf32, #tpu.memory_space<vmem>>, vector<1x16xf32>,
          %get3A_145 = arith.index_cast %scan3A_90 : i32 to index
          %get3A_146 = arith.constant 64 : index
          %get3A_147 = tpu.vector_load %arg12[%get3A_145, %get3A_146] {strides = array<i32>} : memref<40x128xf32, #tpu.memory_space<vmem>>, vector<1x16xf32>,
          %get3A_148 = vector.shape_cast %get3A_147 : vector<1x16xf32> to vector<16xf32>
          %get3A_149 = arith.index_cast %scan3A_90 : i32 to index
          %get3A_150 = arith.constant 64 : index
          %get3A_151 = tpu.vector_load %arg14[%get3A_149, %get3A_150] {strides = array<i32>} : memref<40x128xf32, #tpu.memory_space<vmem>>, vector<1x16xf32>,
          %get3A_152 = vector.shape_cast %get3A_151 : vector<1x16xf32> to vector<16xf32>
          %mul3A_153 = arith.mulf %get3A_148, %get3A_152 : vector<16xf32>
          %swap3A_154 = arith.index_cast %scan3A_90 : i32 to index
          %swap3A_155 = arith.constant 64 : index
          %swap3A_156 = tpu.vector_load %arg12[%swap3A_154, %swap3A_155] {strides = array<i32>} : memref<40x128xf32, #tpu.memory_space<vmem>>, vector<1x16xf32>,
          %swap3A_157 = vector.shape_cast %swap3A_156 : vector<1x16xf32> to vector<16xf32>
          %swap3A_158 = vector.shape_cast %mul3A_153 : vector<16xf32> to vector<1x16xf32>
          tpu.vector_store %arg12[%swap3A_154, %swap3A_155], %swap3A_158 {strides = array<i32>} : memref<40x128xf32, #tpu.memory_space<vmem>>, vector<1x16xf32>,
          %get3A_159 = arith.index_cast %scan3A_90 : i32 to index
          %get3A_160 = arith.constant 80 : index
          %get3A_161 = tpu.vector_load %arg12[%get3A_159, %get3A_160] {strides = array<i32>} : memref<40x128xf32, #tpu.memory_space<vmem>>, vector<1x16xf32>,
          %get3A_162 = vector.shape_cast %get3A_161 : vector<1x16xf32> to vector<16xf32>
          %get3A_163 = arith.index_cast %scan3A_90 : i32 to index
          %get3A_164 = arith.constant 80 : index
          %get3A_165 = tpu.vector_load %arg14[%get3A_163, %get3A_164] {strides = array<i32>} : memref<40x128xf32, #tpu.memory_space<vmem>>, vector<1x16xf32>,
          %get3A_166 = vector.shape_cast %get3A_165 : vector<1x16xf32> to vector<16xf32>
          %mul3A_167 = arith.mulf %get3A_162, %get3A_166 : vector<16xf32>
          %swap3A_168 = arith.index_cast %scan3A_90 : i32 to index
          %swap3A_169 = arith.constant 80 : index
          %swap3A_170 = tpu.vector_load %arg12[%swap3A_168, %swap3A_169] {strides = array<i32>} : memref<40x128xf32, #tpu.memory_space<vmem>>, vector<1x16xf32>,
          %swap3A_171 = vector.shape_cast %swap3A_170 : vector<1x16xf32> to vector<16xf32>
          %swap3A_172 = vector.shape_cast %mul3A_167 : vector<16xf32> to vector<1x16xf32>
          tpu.vector_store %arg12[%swap3A_168, %swap3A_169], %swap3A_172 {strides = array<i32>} : memref<40x128xf32, #tpu.memory_space<vmem>>, vector<1x16xf32>,
          %get3A_173 = arith.index_cast %scan3A_90 : i32 to index
          %get3A_174 = arith.constant 96 : index
          %get3A_175 = tpu.vector_load %arg12[%get3A_173, %get3A_174] {strides = array<i32>} : memref<40x128xf32, #tpu.memory_space<vmem>>, vector<1x16xf32>,
          %get3A_176 = vector.shape_cast %get3A_175 : vector<1x16xf32> to vector<16xf32>
          %get3A_177 = arith.index_cast %scan3A_90 : i32 to index
          %get3A_178 = arith.constant 96 : index
          %get3A_179 = tpu.vector_load %arg14[%get3A_177, %get3A_178] {strides = array<i32>} : memref<40x128xf32, #tpu.memory_space<vmem>>, vector<1x16xf32>,
          %get3A_180 = vector.shape_cast %get3A_179 : vector<1x16xf32> to vector<16xf32>
          %mul3A_181 = arith.mulf %get3A_176, %get3A_180 : vector<16xf32>
          %swap3A_182 = arith.index_cast %scan3A_90 : i32 to index
          %swap3A_183 = arith.constant 96 : index
          %swap3A_184 = tpu.vector_load %arg12[%swap3A_182, %swap3A_183] {strides = array<i32>} : memref<40x128xf32, #tpu.memory_space<vmem>>, vector<1x16xf32>,
          %swap3A_185 = vector.shape_cast %swap3A_184 : vector<1x16xf32> to vector<16xf32>
          %swap3A_186 = vector.shape_cast %mul3A_181 : vector<16xf32> to vector<1x16xf32>
          tpu.vector_store %arg12[%swap3A_182, %swap3A_183], %swap3A_186 {strides = array<i32>} : memref<40x128xf32, #tpu.memory_space<vmem>>, vector<1x16xf32>,
          %get3A_187 = arith.index_cast %scan3A_90 : i32 to index
          %get3A_188 = arith.constant 112 : index
          %get3A_189 = tpu.vector_load %arg12[%get3A_187, %get3A_188] {strides = array<i32>} : memref<40x128xf32, #tpu.memory_space<vmem>>, vector<1x16xf32>,
          %get3A_190 = vector.shape_cast %get3A_189 : vector<1x16xf32> to vector<16xf32>
          %get3A_191 = arith.index_cast %scan3A_90 : i32 to index
          %get3A_192 = arith.constant 112 : index
          %get3A_193 = tpu.vector_load %arg14[%get3A_191, %get3A_192] {strides = array<i32>} : memref<40x128xf32, #tpu.memory_space<vmem>>, vector<1x16xf32>,
          %get3A_194 = vector.shape_cast %get3A_193 : vector<1x16xf32> to vector<16xf32>
          %mul3A_195 = arith.mulf %get3A_190, %get3A_194 : vector<16xf32>
          %swap3A_196 = arith.index_cast %scan3A_90 : i32 to index
          %swap3A_197 = arith.constant 112 : index
          %swap3A_198 = tpu.vector_load %arg12[%swap3A_196, %swap3A_197] {strides = array<i32>} : memref<40x128xf32, #tpu.memory_space<vmem>>, vector<1x16xf32>,
          %swap3A_199 = vector.shape_cast %swap3A_198 : vector<1x16xf32> to vector<16xf32>
          %swap3A_200 = vector.shape_cast %mul3A_195 : vector<16xf32> to vector<1x16xf32>
          tpu.vector_store %arg12[%swap3A_196, %swap3A_197], %swap3A_200 {strides = array<i32>} : memref<40x128xf32, #tpu.memory_space<vmem>>, vector<1x16xf32>,
        }
        %scan3A_81 = arith.constant 40 : i32
        %mul3A_82 = arith.constant 40 : i32
        %mul3A_83 = arith.muli %add3A_43, %mul3A_82 : i32
        %add3A_84 = arith.addi %add3A_4, %mul3A_83 : i32
        %dma_wait3A_85 = tpu.memref_slice %arg5[%add3A_84] : memref<320000xi32, #tpu.memory_space<hbm>> -> memref<40xi32, #tpu.memory_space<hbm>>
        %dma_wait3A_86 = tpu.memref_slice %arg5[%add3A_84] : memref<320000xi32, #tpu.memory_space<hbm>> -> memref<40xi32, #tpu.memory_space<hbm>>
        tpu.wait_dma2 semaphore(%arg21 : memref<!tpu.dma_semaphore, #tpu.memory_space<semaphore_mem>>) src(%dma_wait3A_86 : memref<40xi32, #tpu.memory_space<hbm>>) dst(%arg10 : memref<40xi32, #tpu.memory_space<vmem>>)
        %dma_start3A_87 = arith.constant 0 : i32
        %dma_start3A_88 = arith.constant 0 : i32
        %dma_start3A_89 = tpu.memref_slice %arg15[%dma_start3A_87, %dma_start3A_88] : memref<10240x128xf32, #tpu.memory_space<vmem_shared>> -> memref<10240x128xf32, #tpu.memory_space<vmem_shared>>
        tpu.enqueue_indirect_dma source(%arg12 : memref<40x128xf32, #tpu.memory_space<vmem>>) target(%dma_start3A_89 : memref<10240x128xf32, #tpu.memory_space<vmem_shared>>) offsets(%arg10 : memref<40xi32, #tpu.memory_space<vmem>>) semaphore(%arg23 : memref<!tpu.dma_semaphore, #tpu.memory_space<semaphore_mem>>) {add = true}
      } else {
      }
    }
    %scan3A_25 = arith.constant 63 : i32
    %dma_wait3A = arith.constant 0 : i32
    %dma_wait3A_26 = arith.constant 0 : i32
    %dma_wait3A_27 = tpu.memref_slice %arg15[%dma_wait3A, %dma_wait3A_26] : memref<10240x128xf32, #tpu.memory_space<vmem_shared>> -> memref<10240x128xf32, #tpu.memory_space<vmem_shared>>
    tpu.wait_indirect_dma semaphore(%arg22 : memref<!tpu.dma_semaphore, #tpu.memory_space<semaphore_mem>>) src(%arg11 : memref<40x128xf32, #tpu.memory_space<vmem>>) dst(%dma_wait3A_27 : memref<10240x128xf32, #tpu.memory_space<vmem_shared>>)
    %dma_wait3A_28 = arith.constant 0 : i32
    %dma_wait3A_29 = arith.constant 0 : i32
    %dma_wait3A_30 = tpu.memref_slice %arg15[%dma_wait3A_28, %dma_wait3A_29] : memref<10240x128xf32, #tpu.memory_space<vmem_shared>> -> memref<10240x128xf32, #tpu.memory_space<vmem_shared>>
    tpu.wait_indirect_dma semaphore(%arg23 : memref<!tpu.dma_semaphore, #tpu.memory_space<semaphore_mem>>) src(%arg12 : memref<40x128xf32, #tpu.memory_space<vmem>>) dst(%dma_wait3A_30 : memref<10240x128xf32, #tpu.memory_space<vmem_shared>>)
    %barrier3A_31 = arith.constant 0 : index
    tpu.barrier barrier_id(%barrier3A_31)
    %mul3A_32 = arith.constant 640 : i32
    %mul3A_33 = arith.muli %arg1, %mul3A_32 : i32
    %mul3A_34 = arith.constant 10240 : i32
    %mul3A_35 = arith.muli %arg0, %mul3A_34 : i32
    %mul3A_36 = arith.constant 640 : i32
    %mul3A_37 = arith.muli %arg1, %mul3A_36 : i32
    %add3A_38 = arith.addi %mul3A_35, %mul3A_37 : i32
    "tpu.region"() ({
      %run_scoped3A = tpu.sem_alloc : memref<!tpu.dma_semaphore, #tpu.memory_space<semaphore_mem>>
      %dma_start3A_39 = arith.constant 0 : i32
      %dma_start3A_40 = tpu.memref_slice %arg7[%add3A_38, %dma_start3A_39] : memref<20480x128xf32, #tpu.memory_space<hbm>> -> memref<640x128xf32, #tpu.memory_space<hbm>>
      %dma_start3A_41 = arith.constant 0 : i32
      %dma_start3A_42 = tpu.memref_slice %arg15[%mul3A_33, %dma_start3A_41] : memref<10240x128xf32, #tpu.memory_space<vmem_shared>> -> memref<640x128xf32, #tpu.memory_space<vmem_shared>>
      tpu.enqueue_dma source(%dma_start3A_42 : memref<640x128xf32, #tpu.memory_space<vmem_shared>>) target(%dma_start3A_40 : memref<640x128xf32, #tpu.memory_space<hbm>>) target_semaphore(%run_scoped3A : memref<!tpu.dma_semaphore, #tpu.memory_space<semaphore_mem>>)
      %dma_wait3A_43 = arith.constant 0 : i32
      %dma_wait3A_44 = tpu.memref_slice %arg7[%add3A_38, %dma_wait3A_43] : memref<20480x128xf32, #tpu.memory_space<hbm>> -> memref<640x128xf32, #tpu.memory_space<hbm>>
      %dma_wait3A_45 = arith.constant 0 : i32
      %dma_wait3A_46 = tpu.memref_slice %arg15[%mul3A_33, %dma_wait3A_45] : memref<10240x128xf32, #tpu.memory_space<vmem_shared>> -> memref<640x128xf32, #tpu.memory_space<vmem_shared>>
      tpu.wait_dma2 semaphore(%run_scoped3A : memref<!tpu.dma_semaphore, #tpu.memory_space<semaphore_mem>>) src(%dma_wait3A_46 : memref<640x128xf32, #tpu.memory_space<vmem_shared>>) dst(%dma_wait3A_44 : memref<640x128xf32, #tpu.memory_space<hbm>>)
      tpu.yield
    }) : () -> ()
    return
  }
}

module attributes {stable_mosaic.version = 14 : i64} {
  func.func @_h1_body(%arg0: i32, %arg1: memref<2000x128xf32, #tpu.memory_space<vmem>>, %arg2: memref<128x128xbf16, #tpu.memory_space<vmem>>, %arg3: memref<1x128xf32, #tpu.memory_space<vmem>>, %arg4: memref<2000x128xf32, #tpu.memory_space<vmem>>) attributes {dimension_semantics = [#tpu.dimension_semantics<arbitrary>], iteration_bounds = array<i64: 5>, scalar_prefetch = 0 : i64, scratch_operands = 0 : i64, tpu.core_type = #tpu.core_type<tc>, window_params = [{transform_indices = @transform_0, window_bounds = array<i64: 2000, 128>}, {pipeline_mode = #tpu.pipeline_mode<synchronous>, transform_indices = @transform_1, window_bounds = array<i64: 128, 128>}, {pipeline_mode = #tpu.pipeline_mode<synchronous>, transform_indices = @transform_2, window_bounds = array<i64: 1, 128>}, {transform_indices = @transform_3, window_bounds = array<i64: 2000, 128>}]} {
    %get3A = arith.constant 0 : index
    %get3A_0 = arith.constant 0 : index
    %get3A_1 = vector.load %arg1[%get3A, %get3A_0] : memref<2000x128xf32, #tpu.memory_space<vmem>>, vector<2000x128xf32>
    %convert_element_type3A = arith.truncf %get3A_1 : vector<2000x128xf32> to vector<2000x128xbf16>
    %get3A_2 = arith.constant 0 : index
    %get3A_3 = arith.constant 0 : index
    %get3A_4 = vector.load %arg2[%get3A_2, %get3A_3] : memref<128x128xbf16, #tpu.memory_space<vmem>>, vector<128x128xbf16>
    %dot_general3A = arith.constant dense<0.000000e+00> : vector<2000x128xf32>
    %dot_general3A_5 = tpu.matmul %convert_element_type3A, %get3A_4, %dot_general3A {dimension_numbers = #tpu.dot_dimension_numbers<[1], [0], [0], [1], [0, 0, 1, 1], [], []>, transpose_lhs_hint = false} : vector<2000x128xbf16>, vector<128x128xbf16>, vector<2000x128xf32> -> vector<2000x128xf32>
    %get3A_6 = arith.constant 0 : index
    %get3A_7 = arith.constant 0 : index
    %get3A_8 = vector.load %arg3[%get3A_6, %get3A_7] : memref<1x128xf32, #tpu.memory_space<vmem>>, vector<1x128xf32>
    %add3A = vector.broadcast %get3A_8 : vector<1x128xf32> to vector<2000x128xf32>
    %add3A_9 = arith.addf %dot_general3A_5, %add3A : vector<2000x128xf32>
    %swap3A = arith.constant 0 : index
    %swap3A_10 = arith.constant 0 : index
    %swap3A_11 = vector.load %arg4[%swap3A, %swap3A_10] : memref<2000x128xf32, #tpu.memory_space<vmem>>, vector<2000x128xf32>
    tpu.vector_store %arg4[%swap3A, %swap3A_10], %add3A_9 {strides = array<i32>} : memref<2000x128xf32, #tpu.memory_space<vmem>>, vector<2000x128xf32>,
    return
  }
  func.func @transform_0(%arg0: i32) -> (i32, i32) {
    %c0_i32 = arith.constant 0 : i32
    %c0_i32_0 = arith.constant 0 : i32
    return %arg0, %c0_i32 : i32, i32
  }
  func.func @transform_1(%arg0: i32) -> (i32, i32) {
    %c0_i32 = arith.constant 0 : i32
    %c0_i32_0 = arith.constant 0 : i32
    %c0_i32_1 = arith.constant 0 : i32
    return %c0_i32, %c0_i32_0 : i32, i32
  }
  func.func @transform_2(%arg0: i32) -> (i32, i32) {
    %c0_i32 = arith.constant 0 : i32
    %c0_i32_0 = arith.constant 0 : i32
    %c0_i32_1 = arith.constant 0 : i32
    return %c0_i32, %c0_i32_0 : i32, i32
  }
  func.func @transform_3(%arg0: i32) -> (i32, i32) {
    %c0_i32 = arith.constant 0 : i32
    %c0_i32_0 = arith.constant 0 : i32
    return %arg0, %c0_i32 : i32, i32
  }
}

module attributes {stable_mosaic.version = 14 : i64} {
  func.func @_filter_body(%arg0: i32, %arg1: memref<6400x50xf32, #tpu.memory_space<vmem>>, %arg2: memref<1x1x6400xf32, #tpu.memory_space<vmem>>, %arg3: memref<50x128xbf16, #tpu.memory_space<vmem>>, %arg4: memref<1x128xf32, #tpu.memory_space<vmem>>, %arg5: memref<128x128xbf16, #tpu.memory_space<vmem>>, %arg6: memref<1x128xf32, #tpu.memory_space<vmem>>, %arg7: memref<6400x128xf32, #tpu.memory_space<vmem>>) attributes {dimension_semantics = [#tpu.dimension_semantics<arbitrary>], iteration_bounds = array<i64: 25>, scalar_prefetch = 0 : i64, scratch_operands = 0 : i64, tpu.core_type = #tpu.core_type<tc>, window_params = [{transform_indices = @transform_0, window_bounds = array<i64: 6400, 50>}, {transform_indices = @transform_1, window_bounds = array<i64: 1, 1, 6400>}, {pipeline_mode = #tpu.pipeline_mode<synchronous>, transform_indices = @transform_2, window_bounds = array<i64: 50, 128>}, {pipeline_mode = #tpu.pipeline_mode<synchronous>, transform_indices = @transform_3, window_bounds = array<i64: 1, 128>}, {pipeline_mode = #tpu.pipeline_mode<synchronous>, transform_indices = @transform_4, window_bounds = array<i64: 128, 128>}, {pipeline_mode = #tpu.pipeline_mode<synchronous>, transform_indices = @transform_5, window_bounds = array<i64: 1, 128>}, {transform_indices = @transform_6, window_bounds = array<i64: 6400, 128>}]} {
    %get3A = arith.constant 0 : index
    %get3A_0 = arith.constant 0 : index
    %get3A_1 = vector.load %arg1[%get3A, %get3A_0] : memref<6400x50xf32, #tpu.memory_space<vmem>>, vector<6400x50xf32>
    %convert_element_type3A = arith.truncf %get3A_1 : vector<6400x50xf32> to vector<6400x50xbf16>
    %get3A_2 = arith.constant 0 : index
    %get3A_3 = arith.constant 0 : index
    %get3A_4 = vector.load %arg3[%get3A_2, %get3A_3] : memref<50x128xbf16, #tpu.memory_space<vmem>>, vector<50x128xbf16>
    %dot_general3A = arith.constant dense<0.000000e+00> : vector<6400x128xf32>
    %dot_general3A_5 = tpu.matmul %convert_element_type3A, %get3A_4, %dot_general3A {dimension_numbers = #tpu.dot_dimension_numbers<[1], [0], [0], [1], [0, 0, 1, 1], [], []>, transpose_lhs_hint = false} : vector<6400x50xbf16>, vector<50x128xbf16>, vector<6400x128xf32> -> vector<6400x128xf32>
    %get3A_6 = arith.constant 0 : index
    %get3A_7 = arith.constant 0 : index
    %get3A_8 = vector.load %arg4[%get3A_6, %get3A_7] : memref<1x128xf32, #tpu.memory_space<vmem>>, vector<1x128xf32>
    %add3A = vector.broadcast %get3A_8 : vector<1x128xf32> to vector<6400x128xf32>
    %add3A_9 = arith.addf %dot_general3A_5, %add3A : vector<6400x128xf32>
    %custom_jvp_call3A = arith.constant 0.000000e+00 : f32
    %max3A = vector.broadcast %custom_jvp_call3A : f32 to vector<6400x128xf32>
    %max3A_10 = arith.maximumf %add3A_9, %max3A : vector<6400x128xf32>
    %sub3A = vector.broadcast %custom_jvp_call3A : f32 to vector<6400x128xf32>
    %sub3A_11 = arith.subf %add3A_9, %sub3A : vector<6400x128xf32>
    %ne3A = arith.cmpf one, %sub3A_11, %sub3A_11 : vector<6400x128xf32>
    %add3A_12 = vector.broadcast %custom_jvp_call3A : f32 to vector<6400x128xf32>
    %add3A_13 = arith.addf %add3A_9, %add3A_12 : vector<6400x128xf32>
    %abs3A = math.absf %sub3A_11 : vector<6400x128xf32>
    %neg3A = arith.constant 0.000000e+00 : f32
    %neg3A_14 = vector.broadcast %neg3A : f32 to vector<6400x128xf32>
    %neg3A_15 = arith.subf %neg3A_14, %abs3A : vector<6400x128xf32>
    %exp3A = math.exp %neg3A_15 : vector<6400x128xf32>
    %log1p3A = math.log1p %exp3A : vector<6400x128xf32>
    %add3A_16 = arith.addf %max3A_10, %log1p3A : vector<6400x128xf32>
    %select_n3A = arith.select %ne3A, %add3A_13, %add3A_16 : vector<6400x128xi1>, vector<6400x128xf32>
    %log3A = arith.constant 2.000000e+00 : f32
    %log3A_17 = math.log %log3A : f32
    %sub3A_18 = vector.broadcast %log3A_17 : f32 to vector<6400x128xf32>
    %sub3A_19 = arith.subf %select_n3A, %sub3A_18 : vector<6400x128xf32>
    %convert_element_type3A_20 = arith.truncf %sub3A_19 : vector<6400x128xf32> to vector<6400x128xbf16>
    %get3A_21 = arith.constant 0 : index
    %get3A_22 = arith.constant 0 : index
    %get3A_23 = vector.load %arg5[%get3A_21, %get3A_22] : memref<128x128xbf16, #tpu.memory_space<vmem>>, vector<128x128xbf16>
    %dot_general3A_24 = arith.constant dense<0.000000e+00> : vector<6400x128xf32>
    %dot_general3A_25 = tpu.matmul %convert_element_type3A_20, %get3A_23, %dot_general3A_24 {dimension_numbers = #tpu.dot_dimension_numbers<[1], [0], [0], [1], [0, 0, 1, 1], [], []>, transpose_lhs_hint = false} : vector<6400x128xbf16>, vector<128x128xbf16>, vector<6400x128xf32> -> vector<6400x128xf32>
    %get3A_26 = arith.constant 0 : index
    %get3A_27 = arith.constant 0 : index
    %get3A_28 = vector.load %arg6[%get3A_26, %get3A_27] : memref<1x128xf32, #tpu.memory_space<vmem>>, vector<1x128xf32>
    %add3A_29 = vector.broadcast %get3A_28 : vector<1x128xf32> to vector<6400x128xf32>
    %add3A_30 = arith.addf %dot_general3A_25, %add3A_29 : vector<6400x128xf32>
    %custom_jvp_call3A_31 = arith.constant 0.000000e+00 : f32
    %max3A_32 = vector.broadcast %custom_jvp_call3A_31 : f32 to vector<6400x128xf32>
    %max3A_33 = arith.maximumf %add3A_30, %max3A_32 : vector<6400x128xf32>
    %sub3A_34 = vector.broadcast %custom_jvp_call3A_31 : f32 to vector<6400x128xf32>
    %sub3A_35 = arith.subf %add3A_30, %sub3A_34 : vector<6400x128xf32>
    %ne3A_36 = arith.cmpf one, %sub3A_35, %sub3A_35 : vector<6400x128xf32>
    %add3A_37 = vector.broadcast %custom_jvp_call3A_31 : f32 to vector<6400x128xf32>
    %add3A_38 = arith.addf %add3A_30, %add3A_37 : vector<6400x128xf32>
    %abs3A_39 = math.absf %sub3A_35 : vector<6400x128xf32>
    %neg3A_40 = arith.constant 0.000000e+00 : f32
    %neg3A_41 = vector.broadcast %neg3A_40 : f32 to vector<6400x128xf32>
    %neg3A_42 = arith.subf %neg3A_41, %abs3A_39 : vector<6400x128xf32>
    %exp3A_43 = math.exp %neg3A_42 : vector<6400x128xf32>
    %log1p3A_44 = math.log1p %exp3A_43 : vector<6400x128xf32>
    %add3A_45 = arith.addf %max3A_33, %log1p3A_44 : vector<6400x128xf32>
    %select_n3A_46 = arith.select %ne3A_36, %add3A_38, %add3A_45 : vector<6400x128xi1>, vector<6400x128xf32>
    %log3A_47 = arith.constant 2.000000e+00 : f32
    %log3A_48 = math.log %log3A_47 : f32
    %sub3A_49 = vector.broadcast %log3A_48 : f32 to vector<6400x128xf32>
    %sub3A_50 = arith.subf %select_n3A_46, %sub3A_49 : vector<6400x128xf32>
    %get3A_51 = arith.constant 0 : index
    %get3A_52 = arith.constant 0 : index
    %get3A_53 = arith.constant 0 : index
    %get3A_54 = vector.load %arg2[%get3A_51, %get3A_52, %get3A_53] : memref<1x1x6400xf32, #tpu.memory_space<vmem>>, vector<1x1x6400xf32>
    %reshape3A = vector.shape_cast %get3A_54 : vector<1x1x6400xf32> to vector<50x128xf32>
    %mul3A = arith.constant 0.157079637 : f32
    %mul3A_55 = vector.broadcast %mul3A : f32 to vector<50x128xf32>
    %mul3A_56 = arith.mulf %reshape3A, %mul3A_55 : vector<50x128xf32>
    %mul3A_57 = arith.mulf %mul3A_56, %mul3A_56 : vector<50x128xf32>
    %mul3A_58 = arith.constant 2.31539325E-5 : f32
    %mul3A_59 = vector.broadcast %mul3A_58 : f32 to vector<50x128xf32>
    %mul3A_60 = arith.mulf %mul3A_57, %mul3A_59 : vector<50x128xf32>
    %add3A_61 = arith.constant -0.00138537039 : f32
    %add3A_62 = vector.broadcast %add3A_61 : f32 to vector<50x128xf32>
    %add3A_63 = arith.addf %add3A_62, %mul3A_60 : vector<50x128xf32>
    %mul3A_64 = arith.mulf %mul3A_57, %add3A_63 : vector<50x128xf32>
    %add3A_65 = arith.constant 0.0416635834 : f32
    %add3A_66 = vector.broadcast %add3A_65 : f32 to vector<50x128xf32>
    %add3A_67 = arith.addf %add3A_66, %mul3A_64 : vector<50x128xf32>
    %mul3A_68 = arith.mulf %mul3A_57, %add3A_67 : vector<50x128xf32>
    %add3A_69 = arith.constant -0.499999046 : f32
    %add3A_70 = vector.broadcast %add3A_69 : f32 to vector<50x128xf32>
    %add3A_71 = arith.addf %add3A_70, %mul3A_68 : vector<50x128xf32>
    %mul3A_72 = arith.mulf %mul3A_57, %add3A_71 : vector<50x128xf32>
    %add3A_73 = arith.constant 0.99999994 : f32
    %add3A_74 = vector.broadcast %add3A_73 : f32 to vector<50x128xf32>
    %add3A_75 = arith.addf %add3A_74, %mul3A_72 : vector<50x128xf32>
    %mul3A_76 = arith.mulf %add3A_75, %add3A_75 : vector<50x128xf32>
    %reshape3A_77 = vector.shape_cast %sub3A_50 : vector<6400x128xf32> to vector<50x128x128xf32>
    %broadcast_in_dim3A = vector.shape_cast %mul3A_76 : vector<50x128xf32> to vector<50x128x1xf32>
    %mul3A_78 = vector.broadcast %broadcast_in_dim3A : vector<50x128x1xf32> to vector<50x128x128xf32>
    %mul3A_79 = arith.mulf %reshape3A_77, %mul3A_78 : vector<50x128x128xf32>
    %reshape3A_80 = vector.shape_cast %mul3A_79 : vector<50x128x128xf32> to vector<6400x128xf32>
    %swap3A = arith.constant 0 : index
    %swap3A_81 = arith.constant 0 : index
    %swap3A_82 = vector.load %arg7[%swap3A, %swap3A_81] : memref<6400x128xf32, #tpu.memory_space<vmem>>, vector<6400x128xf32>
    tpu.vector_store %arg7[%swap3A, %swap3A_81], %reshape3A_80 {strides = array<i32>} : memref<6400x128xf32, #tpu.memory_space<vmem>>, vector<6400x128xf32>,
    return
  }
  func.func @transform_0(%arg0: i32) -> (i32, i32) {
    %add3A = arith.constant 25 : i32
    %add3A_0 = arith.addi %arg0, %add3A : i32
    %c0_i32 = arith.constant 0 : i32
    %c0_i32_1 = arith.constant 0 : i32
    return %add3A_0, %c0_i32 : i32, i32
  }
  func.func @transform_1(%arg0: i32) -> (i32, i32, i32) {
    %add3A = arith.constant 25 : i32
    %add3A_0 = arith.addi %arg0, %add3A : i32
    %c0_i32 = arith.constant 0 : i32
    %c0_i32_1 = arith.constant 0 : i32
    %c0_i32_2 = arith.constant 0 : i32
    return %add3A_0, %c0_i32, %c0_i32_1 : i32, i32, i32
  }
  func.func @transform_2(%arg0: i32) -> (i32, i32) {
    %c0_i32 = arith.constant 0 : i32
    %c0_i32_0 = arith.constant 0 : i32
    %c0_i32_1 = arith.constant 0 : i32
    return %c0_i32, %c0_i32_0 : i32, i32
  }
  func.func @transform_3(%arg0: i32) -> (i32, i32) {
    %c0_i32 = arith.constant 0 : i32
    %c0_i32_0 = arith.constant 0 : i32
    %c0_i32_1 = arith.constant 0 : i32
    return %c0_i32, %c0_i32_0 : i32, i32
  }
  func.func @transform_4(%arg0: i32) -> (i32, i32) {
    %c0_i32 = arith.constant 0 : i32
    %c0_i32_0 = arith.constant 0 : i32
    %c0_i32_1 = arith.constant 0 : i32
    return %c0_i32, %c0_i32_0 : i32, i32
  }
  func.func @transform_5(%arg0: i32) -> (i32, i32) {
    %c0_i32 = arith.constant 0 : i32
    %c0_i32_0 = arith.constant 0 : i32
    %c0_i32_1 = arith.constant 0 : i32
    return %c0_i32, %c0_i32_0 : i32, i32
  }
  func.func @transform_6(%arg0: i32) -> (i32, i32) {
    %c0_i32 = arith.constant 0 : i32
    %c0_i32_0 = arith.constant 0 : i32
    return %arg0, %c0_i32 : i32, i32
  }
}

module attributes {stable_mosaic.version = 14 : i64} {
  func.func @_filter_body(%arg0: i32, %arg1: memref<6400x50xf32, #tpu.memory_space<vmem>>, %arg2: memref<1x1x6400xf32, #tpu.memory_space<vmem>>, %arg3: memref<50x128xbf16, #tpu.memory_space<vmem>>, %arg4: memref<1x128xf32, #tpu.memory_space<vmem>>, %arg5: memref<128x128xbf16, #tpu.memory_space<vmem>>, %arg6: memref<1x128xf32, #tpu.memory_space<vmem>>, %arg7: memref<6400x128xf32, #tpu.memory_space<vmem>>) attributes {dimension_semantics = [#tpu.dimension_semantics<arbitrary>], iteration_bounds = array<i64: 25>, scalar_prefetch = 0 : i64, scratch_operands = 0 : i64, tpu.core_type = #tpu.core_type<tc>, window_params = [{transform_indices = @transform_0, window_bounds = array<i64: 6400, 50>}, {transform_indices = @transform_1, window_bounds = array<i64: 1, 1, 6400>}, {pipeline_mode = #tpu.pipeline_mode<synchronous>, transform_indices = @transform_2, window_bounds = array<i64: 50, 128>}, {pipeline_mode = #tpu.pipeline_mode<synchronous>, transform_indices = @transform_3, window_bounds = array<i64: 1, 128>}, {pipeline_mode = #tpu.pipeline_mode<synchronous>, transform_indices = @transform_4, window_bounds = array<i64: 128, 128>}, {pipeline_mode = #tpu.pipeline_mode<synchronous>, transform_indices = @transform_5, window_bounds = array<i64: 1, 128>}, {transform_indices = @transform_6, window_bounds = array<i64: 6400, 128>}]} {
    %get3A = arith.constant 0 : index
    %get3A_0 = arith.constant 0 : index
    %get3A_1 = vector.load %arg1[%get3A, %get3A_0] : memref<6400x50xf32, #tpu.memory_space<vmem>>, vector<6400x50xf32>
    %convert_element_type3A = arith.truncf %get3A_1 : vector<6400x50xf32> to vector<6400x50xbf16>
    %get3A_2 = arith.constant 0 : index
    %get3A_3 = arith.constant 0 : index
    %get3A_4 = vector.load %arg3[%get3A_2, %get3A_3] : memref<50x128xbf16, #tpu.memory_space<vmem>>, vector<50x128xbf16>
    %dot_general3A = arith.constant dense<0.000000e+00> : vector<6400x128xf32>
    %dot_general3A_5 = tpu.matmul %convert_element_type3A, %get3A_4, %dot_general3A {dimension_numbers = #tpu.dot_dimension_numbers<[1], [0], [0], [1], [0, 0, 1, 1], [], []>, transpose_lhs_hint = false} : vector<6400x50xbf16>, vector<50x128xbf16>, vector<6400x128xf32> -> vector<6400x128xf32>
    %get3A_6 = arith.constant 0 : index
    %get3A_7 = arith.constant 0 : index
    %get3A_8 = vector.load %arg4[%get3A_6, %get3A_7] : memref<1x128xf32, #tpu.memory_space<vmem>>, vector<1x128xf32>
    %add3A = vector.broadcast %get3A_8 : vector<1x128xf32> to vector<6400x128xf32>
    %add3A_9 = arith.addf %dot_general3A_5, %add3A : vector<6400x128xf32>
    %custom_jvp_call3A = arith.constant 0.000000e+00 : f32
    %max3A = vector.broadcast %custom_jvp_call3A : f32 to vector<6400x128xf32>
    %max3A_10 = arith.maximumf %add3A_9, %max3A : vector<6400x128xf32>
    %sub3A = vector.broadcast %custom_jvp_call3A : f32 to vector<6400x128xf32>
    %sub3A_11 = arith.subf %add3A_9, %sub3A : vector<6400x128xf32>
    %ne3A = arith.cmpf one, %sub3A_11, %sub3A_11 : vector<6400x128xf32>
    %add3A_12 = vector.broadcast %custom_jvp_call3A : f32 to vector<6400x128xf32>
    %add3A_13 = arith.addf %add3A_9, %add3A_12 : vector<6400x128xf32>
    %abs3A = math.absf %sub3A_11 : vector<6400x128xf32>
    %neg3A = arith.constant 0.000000e+00 : f32
    %neg3A_14 = vector.broadcast %neg3A : f32 to vector<6400x128xf32>
    %neg3A_15 = arith.subf %neg3A_14, %abs3A : vector<6400x128xf32>
    %exp3A = math.exp %neg3A_15 : vector<6400x128xf32>
    %log1p3A = math.log1p %exp3A : vector<6400x128xf32>
    %add3A_16 = arith.addf %max3A_10, %log1p3A : vector<6400x128xf32>
    %select_n3A = arith.select %ne3A, %add3A_13, %add3A_16 : vector<6400x128xi1>, vector<6400x128xf32>
    %log3A = arith.constant 2.000000e+00 : f32
    %log3A_17 = math.log %log3A : f32
    %sub3A_18 = vector.broadcast %log3A_17 : f32 to vector<6400x128xf32>
    %sub3A_19 = arith.subf %select_n3A, %sub3A_18 : vector<6400x128xf32>
    %convert_element_type3A_20 = arith.truncf %sub3A_19 : vector<6400x128xf32> to vector<6400x128xbf16>
    %get3A_21 = arith.constant 0 : index
    %get3A_22 = arith.constant 0 : index
    %get3A_23 = vector.load %arg5[%get3A_21, %get3A_22] : memref<128x128xbf16, #tpu.memory_space<vmem>>, vector<128x128xbf16>
    %dot_general3A_24 = arith.constant dense<0.000000e+00> : vector<6400x128xf32>
    %dot_general3A_25 = tpu.matmul %convert_element_type3A_20, %get3A_23, %dot_general3A_24 {dimension_numbers = #tpu.dot_dimension_numbers<[1], [0], [0], [1], [0, 0, 1, 1], [], []>, transpose_lhs_hint = false} : vector<6400x128xbf16>, vector<128x128xbf16>, vector<6400x128xf32> -> vector<6400x128xf32>
    %get3A_26 = arith.constant 0 : index
    %get3A_27 = arith.constant 0 : index
    %get3A_28 = vector.load %arg6[%get3A_26, %get3A_27] : memref<1x128xf32, #tpu.memory_space<vmem>>, vector<1x128xf32>
    %add3A_29 = vector.broadcast %get3A_28 : vector<1x128xf32> to vector<6400x128xf32>
    %add3A_30 = arith.addf %dot_general3A_25, %add3A_29 : vector<6400x128xf32>
    %custom_jvp_call3A_31 = arith.constant 0.000000e+00 : f32
    %max3A_32 = vector.broadcast %custom_jvp_call3A_31 : f32 to vector<6400x128xf32>
    %max3A_33 = arith.maximumf %add3A_30, %max3A_32 : vector<6400x128xf32>
    %sub3A_34 = vector.broadcast %custom_jvp_call3A_31 : f32 to vector<6400x128xf32>
    %sub3A_35 = arith.subf %add3A_30, %sub3A_34 : vector<6400x128xf32>
    %ne3A_36 = arith.cmpf one, %sub3A_35, %sub3A_35 : vector<6400x128xf32>
    %add3A_37 = vector.broadcast %custom_jvp_call3A_31 : f32 to vector<6400x128xf32>
    %add3A_38 = arith.addf %add3A_30, %add3A_37 : vector<6400x128xf32>
    %abs3A_39 = math.absf %sub3A_35 : vector<6400x128xf32>
    %neg3A_40 = arith.constant 0.000000e+00 : f32
    %neg3A_41 = vector.broadcast %neg3A_40 : f32 to vector<6400x128xf32>
    %neg3A_42 = arith.subf %neg3A_41, %abs3A_39 : vector<6400x128xf32>
    %exp3A_43 = math.exp %neg3A_42 : vector<6400x128xf32>
    %log1p3A_44 = math.log1p %exp3A_43 : vector<6400x128xf32>
    %add3A_45 = arith.addf %max3A_33, %log1p3A_44 : vector<6400x128xf32>
    %select_n3A_46 = arith.select %ne3A_36, %add3A_38, %add3A_45 : vector<6400x128xi1>, vector<6400x128xf32>
    %log3A_47 = arith.constant 2.000000e+00 : f32
    %log3A_48 = math.log %log3A_47 : f32
    %sub3A_49 = vector.broadcast %log3A_48 : f32 to vector<6400x128xf32>
    %sub3A_50 = arith.subf %select_n3A_46, %sub3A_49 : vector<6400x128xf32>
    %get3A_51 = arith.constant 0 : index
    %get3A_52 = arith.constant 0 : index
    %get3A_53 = arith.constant 0 : index
    %get3A_54 = vector.load %arg2[%get3A_51, %get3A_52, %get3A_53] : memref<1x1x6400xf32, #tpu.memory_space<vmem>>, vector<1x1x6400xf32>
    %reshape3A = vector.shape_cast %get3A_54 : vector<1x1x6400xf32> to vector<50x128xf32>
    %mul3A = arith.constant 0.157079637 : f32
    %mul3A_55 = vector.broadcast %mul3A : f32 to vector<50x128xf32>
    %mul3A_56 = arith.mulf %reshape3A, %mul3A_55 : vector<50x128xf32>
    %mul3A_57 = arith.mulf %mul3A_56, %mul3A_56 : vector<50x128xf32>
    %mul3A_58 = arith.constant 2.31539325E-5 : f32
    %mul3A_59 = vector.broadcast %mul3A_58 : f32 to vector<50x128xf32>
    %mul3A_60 = arith.mulf %mul3A_57, %mul3A_59 : vector<50x128xf32>
    %add3A_61 = arith.constant -0.00138537039 : f32
    %add3A_62 = vector.broadcast %add3A_61 : f32 to vector<50x128xf32>
    %add3A_63 = arith.addf %add3A_62, %mul3A_60 : vector<50x128xf32>
    %mul3A_64 = arith.mulf %mul3A_57, %add3A_63 : vector<50x128xf32>
    %add3A_65 = arith.constant 0.0416635834 : f32
    %add3A_66 = vector.broadcast %add3A_65 : f32 to vector<50x128xf32>
    %add3A_67 = arith.addf %add3A_66, %mul3A_64 : vector<50x128xf32>
    %mul3A_68 = arith.mulf %mul3A_57, %add3A_67 : vector<50x128xf32>
    %add3A_69 = arith.constant -0.499999046 : f32
    %add3A_70 = vector.broadcast %add3A_69 : f32 to vector<50x128xf32>
    %add3A_71 = arith.addf %add3A_70, %mul3A_68 : vector<50x128xf32>
    %mul3A_72 = arith.mulf %mul3A_57, %add3A_71 : vector<50x128xf32>
    %add3A_73 = arith.constant 0.99999994 : f32
    %add3A_74 = vector.broadcast %add3A_73 : f32 to vector<50x128xf32>
    %add3A_75 = arith.addf %add3A_74, %mul3A_72 : vector<50x128xf32>
    %mul3A_76 = arith.mulf %add3A_75, %add3A_75 : vector<50x128xf32>
    %reshape3A_77 = vector.shape_cast %sub3A_50 : vector<6400x128xf32> to vector<50x128x128xf32>
    %broadcast_in_dim3A = vector.shape_cast %mul3A_76 : vector<50x128xf32> to vector<50x128x1xf32>
    %mul3A_78 = vector.broadcast %broadcast_in_dim3A : vector<50x128x1xf32> to vector<50x128x128xf32>
    %mul3A_79 = arith.mulf %reshape3A_77, %mul3A_78 : vector<50x128x128xf32>
    %reshape3A_80 = vector.shape_cast %mul3A_79 : vector<50x128x128xf32> to vector<6400x128xf32>
    %swap3A = arith.constant 0 : index
    %swap3A_81 = arith.constant 0 : index
    %swap3A_82 = vector.load %arg7[%swap3A, %swap3A_81] : memref<6400x128xf32, #tpu.memory_space<vmem>>, vector<6400x128xf32>
    tpu.vector_store %arg7[%swap3A, %swap3A_81], %reshape3A_80 {strides = array<i32>} : memref<6400x128xf32, #tpu.memory_space<vmem>>, vector<6400x128xf32>,
    return
  }
  func.func @transform_0(%arg0: i32) -> (i32, i32) {
    %add3A = arith.constant 0 : i32
    %add3A_0 = arith.addi %arg0, %add3A : i32
    %c0_i32 = arith.constant 0 : i32
    %c0_i32_1 = arith.constant 0 : i32
    return %add3A_0, %c0_i32 : i32, i32
  }
  func.func @transform_1(%arg0: i32) -> (i32, i32, i32) {
    %add3A = arith.constant 0 : i32
    %add3A_0 = arith.addi %arg0, %add3A : i32
    %c0_i32 = arith.constant 0 : i32
    %c0_i32_1 = arith.constant 0 : i32
    %c0_i32_2 = arith.constant 0 : i32
    return %add3A_0, %c0_i32, %c0_i32_1 : i32, i32, i32
  }
  func.func @transform_2(%arg0: i32) -> (i32, i32) {
    %c0_i32 = arith.constant 0 : i32
    %c0_i32_0 = arith.constant 0 : i32
    %c0_i32_1 = arith.constant 0 : i32
    return %c0_i32, %c0_i32_0 : i32, i32
  }
  func.func @transform_3(%arg0: i32) -> (i32, i32) {
    %c0_i32 = arith.constant 0 : i32
    %c0_i32_0 = arith.constant 0 : i32
    %c0_i32_1 = arith.constant 0 : i32
    return %c0_i32, %c0_i32_0 : i32, i32
  }
  func.func @transform_4(%arg0: i32) -> (i32, i32) {
    %c0_i32 = arith.constant 0 : i32
    %c0_i32_0 = arith.constant 0 : i32
    %c0_i32_1 = arith.constant 0 : i32
    return %c0_i32, %c0_i32_0 : i32, i32
  }
  func.func @transform_5(%arg0: i32) -> (i32, i32) {
    %c0_i32 = arith.constant 0 : i32
    %c0_i32_0 = arith.constant 0 : i32
    %c0_i32_1 = arith.constant 0 : i32
    return %c0_i32, %c0_i32_0 : i32, i32
  }
  func.func @transform_6(%arg0: i32) -> (i32, i32) {
    %c0_i32 = arith.constant 0 : i32
    %c0_i32_0 = arith.constant 0 : i32
    return %arg0, %c0_i32 : i32, i32
  }
}

module attributes {stable_mosaic.version = 14 : i64} {
  func.func @_out_body(%arg0: i32, %arg1: memref<2x2000x128xf32, #tpu.memory_space<vmem>>, %arg2: memref<2x2000x128xf32, #tpu.memory_space<vmem>>, %arg3: memref<128x128xbf16, #tpu.memory_space<vmem>>, %arg4: memref<1x128xf32, #tpu.memory_space<vmem>>, %arg5: memref<128x128xbf16, #tpu.memory_space<vmem>>, %arg6: memref<1x128xf32, #tpu.memory_space<vmem>>, %arg7: memref<2000x128xf32, #tpu.memory_space<vmem>>) attributes {dimension_semantics = [#tpu.dimension_semantics<arbitrary>], iteration_bounds = array<i64: 5>, scalar_prefetch = 0 : i64, scratch_operands = 0 : i64, tpu.core_type = #tpu.core_type<tc>, window_params = [{transform_indices = @transform_0, window_bounds = array<i64: 2, 2000, 128>}, {transform_indices = @transform_1, window_bounds = array<i64: 2, 2000, 128>}, {pipeline_mode = #tpu.pipeline_mode<synchronous>, transform_indices = @transform_2, window_bounds = array<i64: 128, 128>}, {pipeline_mode = #tpu.pipeline_mode<synchronous>, transform_indices = @transform_3, window_bounds = array<i64: 1, 128>}, {pipeline_mode = #tpu.pipeline_mode<synchronous>, transform_indices = @transform_4, window_bounds = array<i64: 128, 128>}, {pipeline_mode = #tpu.pipeline_mode<synchronous>, transform_indices = @transform_5, window_bounds = array<i64: 1, 128>}, {transform_indices = @transform_6, window_bounds = array<i64: 2000, 128>}]} {
    %get3A = arith.constant 0 : index
    %get3A_0 = arith.constant 0 : index
    %get3A_1 = arith.constant 0 : index
    %get3A_2 = vector.load %arg1[%get3A, %get3A_0, %get3A_1] : memref<2x2000x128xf32, #tpu.memory_space<vmem>>, vector<1x2000x128xf32>
    %get3A_3 = vector.shape_cast %get3A_2 : vector<1x2000x128xf32> to vector<2000x128xf32>
    %get3A_4 = arith.constant 1 : index
    %get3A_5 = arith.constant 0 : index
    %get3A_6 = arith.constant 0 : index
    %get3A_7 = vector.load %arg1[%get3A_4, %get3A_5, %get3A_6] : memref<2x2000x128xf32, #tpu.memory_space<vmem>>, vector<1x2000x128xf32>
    %get3A_8 = vector.shape_cast %get3A_7 : vector<1x2000x128xf32> to vector<2000x128xf32>
    %add3A = arith.addf %get3A_3, %get3A_8 : vector<2000x128xf32>
    %get3A_9 = arith.constant 0 : index
    %get3A_10 = arith.constant 0 : index
    %get3A_11 = arith.constant 0 : index
    %get3A_12 = vector.load %arg2[%get3A_9, %get3A_10, %get3A_11] : memref<2x2000x128xf32, #tpu.memory_space<vmem>>, vector<1x2000x128xf32>
    %get3A_13 = vector.shape_cast %get3A_12 : vector<1x2000x128xf32> to vector<2000x128xf32>
    %add3A_14 = arith.addf %add3A, %get3A_13 : vector<2000x128xf32>
    %get3A_15 = arith.constant 1 : index
    %get3A_16 = arith.constant 0 : index
    %get3A_17 = arith.constant 0 : index
    %get3A_18 = vector.load %arg2[%get3A_15, %get3A_16, %get3A_17] : memref<2x2000x128xf32, #tpu.memory_space<vmem>>, vector<1x2000x128xf32>
    %get3A_19 = vector.shape_cast %get3A_18 : vector<1x2000x128xf32> to vector<2000x128xf32>
    %add3A_20 = arith.addf %add3A_14, %get3A_19 : vector<2000x128xf32>
    %convert_element_type3A = arith.truncf %add3A_20 : vector<2000x128xf32> to vector<2000x128xbf16>
    %get3A_21 = arith.constant 0 : index
    %get3A_22 = arith.constant 0 : index
    %get3A_23 = vector.load %arg3[%get3A_21, %get3A_22] : memref<128x128xbf16, #tpu.memory_space<vmem>>, vector<128x128xbf16>
    %dot_general3A = arith.constant dense<0.000000e+00> : vector<2000x128xf32>
    %dot_general3A_24 = tpu.matmul %convert_element_type3A, %get3A_23, %dot_general3A {dimension_numbers = #tpu.dot_dimension_numbers<[1], [0], [0], [1], [0, 0, 1, 1], [], []>, transpose_lhs_hint = false} : vector<2000x128xbf16>, vector<128x128xbf16>, vector<2000x128xf32> -> vector<2000x128xf32>
    %get3A_25 = arith.constant 0 : index
    %get3A_26 = arith.constant 0 : index
    %get3A_27 = vector.load %arg4[%get3A_25, %get3A_26] : memref<1x128xf32, #tpu.memory_space<vmem>>, vector<1x128xf32>
    %add3A_28 = vector.broadcast %get3A_27 : vector<1x128xf32> to vector<2000x128xf32>
    %add3A_29 = arith.addf %dot_general3A_24, %add3A_28 : vector<2000x128xf32>
    %custom_jvp_call3A = arith.constant 0.000000e+00 : f32
    %max3A = vector.broadcast %custom_jvp_call3A : f32 to vector<2000x128xf32>
    %max3A_30 = arith.maximumf %add3A_29, %max3A : vector<2000x128xf32>
    %sub3A = vector.broadcast %custom_jvp_call3A : f32 to vector<2000x128xf32>
    %sub3A_31 = arith.subf %add3A_29, %sub3A : vector<2000x128xf32>
    %ne3A = arith.cmpf one, %sub3A_31, %sub3A_31 : vector<2000x128xf32>
    %add3A_32 = vector.broadcast %custom_jvp_call3A : f32 to vector<2000x128xf32>
    %add3A_33 = arith.addf %add3A_29, %add3A_32 : vector<2000x128xf32>
    %abs3A = math.absf %sub3A_31 : vector<2000x128xf32>
    %neg3A = arith.constant 0.000000e+00 : f32
    %neg3A_34 = vector.broadcast %neg3A : f32 to vector<2000x128xf32>
    %neg3A_35 = arith.subf %neg3A_34, %abs3A : vector<2000x128xf32>
    %exp3A = math.exp %neg3A_35 : vector<2000x128xf32>
    %log1p3A = math.log1p %exp3A : vector<2000x128xf32>
    %add3A_36 = arith.addf %max3A_30, %log1p3A : vector<2000x128xf32>
    %select_n3A = arith.select %ne3A, %add3A_33, %add3A_36 : vector<2000x128xi1>, vector<2000x128xf32>
    %log3A = arith.constant 2.000000e+00 : f32
    %log3A_37 = math.log %log3A : f32
    %sub3A_38 = vector.broadcast %log3A_37 : f32 to vector<2000x128xf32>
    %sub3A_39 = arith.subf %select_n3A, %sub3A_38 : vector<2000x128xf32>
    %convert_element_type3A_40 = arith.truncf %sub3A_39 : vector<2000x128xf32> to vector<2000x128xbf16>
    %get3A_41 = arith.constant 0 : index
    %get3A_42 = arith.constant 0 : index
    %get3A_43 = vector.load %arg5[%get3A_41, %get3A_42] : memref<128x128xbf16, #tpu.memory_space<vmem>>, vector<128x128xbf16>
    %dot_general3A_44 = arith.constant dense<0.000000e+00> : vector<2000x128xf32>
    %dot_general3A_45 = tpu.matmul %convert_element_type3A_40, %get3A_43, %dot_general3A_44 {dimension_numbers = #tpu.dot_dimension_numbers<[1], [0], [0], [1], [0, 0, 1, 1], [], []>, transpose_lhs_hint = false} : vector<2000x128xbf16>, vector<128x128xbf16>, vector<2000x128xf32> -> vector<2000x128xf32>
    %get3A_46 = arith.constant 0 : index
    %get3A_47 = arith.constant 0 : index
    %get3A_48 = vector.load %arg6[%get3A_46, %get3A_47] : memref<1x128xf32, #tpu.memory_space<vmem>>, vector<1x128xf32>
    %add3A_49 = vector.broadcast %get3A_48 : vector<1x128xf32> to vector<2000x128xf32>
    %add3A_50 = arith.addf %dot_general3A_45, %add3A_49 : vector<2000x128xf32>
    %swap3A = arith.constant 0 : index
    %swap3A_51 = arith.constant 0 : index
    %swap3A_52 = vector.load %arg7[%swap3A, %swap3A_51] : memref<2000x128xf32, #tpu.memory_space<vmem>>, vector<2000x128xf32>
    tpu.vector_store %arg7[%swap3A, %swap3A_51], %add3A_50 {strides = array<i32>} : memref<2000x128xf32, #tpu.memory_space<vmem>>, vector<2000x128xf32>,
    return
  }
  func.func @transform_0(%arg0: i32) -> (i32, i32, i32) {
    %c0_i32 = arith.constant 0 : i32
    %c0_i32_0 = arith.constant 0 : i32
    %c0_i32_1 = arith.constant 0 : i32
    return %c0_i32, %arg0, %c0_i32_0 : i32, i32, i32
  }
  func.func @transform_1(%arg0: i32) -> (i32, i32, i32) {
    %c0_i32 = arith.constant 0 : i32
    %c0_i32_0 = arith.constant 0 : i32
    %c0_i32_1 = arith.constant 0 : i32
    return %c0_i32, %arg0, %c0_i32_0 : i32, i32, i32
  }
  func.func @transform_2(%arg0: i32) -> (i32, i32) {
    %c0_i32 = arith.constant 0 : i32
    %c0_i32_0 = arith.constant 0 : i32
    %c0_i32_1 = arith.constant 0 : i32
    return %c0_i32, %c0_i32_0 : i32, i32
  }
  func.func @transform_3(%arg0: i32) -> (i32, i32) {
    %c0_i32 = arith.constant 0 : i32
    %c0_i32_0 = arith.constant 0 : i32
    %c0_i32_1 = arith.constant 0 : i32
    return %c0_i32, %c0_i32_0 : i32, i32
  }
  func.func @transform_4(%arg0: i32) -> (i32, i32) {
    %c0_i32 = arith.constant 0 : i32
    %c0_i32_0 = arith.constant 0 : i32
    %c0_i32_1 = arith.constant 0 : i32
    return %c0_i32, %c0_i32_0 : i32, i32
  }
  func.func @transform_5(%arg0: i32) -> (i32, i32) {
    %c0_i32 = arith.constant 0 : i32
    %c0_i32_0 = arith.constant 0 : i32
    %c0_i32_1 = arith.constant 0 : i32
    return %c0_i32, %c0_i32_0 : i32, i32
  }
  func.func @transform_6(%arg0: i32) -> (i32, i32) {
    %c0_i32 = arith.constant 0 : i32
    %c0_i32_0 = arith.constant 0 : i32
    return %arg0, %c0_i32 : i32, i32
  }
}

</mosaic_0001>

<sc_bundles>
// kernel: kernel.11.cloned.1.call-start
scs
__scs_entry_jumppad:
0x0: {  	(pc) =	sbr.rel $0x88, $3  }
0x1: {  	(tag) =	ssettag $0x0;
	lr =	simm.s32 $0x1  }
0x2: {  	[smem:$0x3F93] =	sst lr;
	_ =	strace $0xD0000000  }
0x3: {  	_ = 	snop  }
0x4: {  	_ = 	snop  }
0x5: {  	_ = 	snop  }
0x6: {  	_ = 	snop  }
0x7: {  	_ = 	snop  }
__scs_overlays_trampoline_lowered:
0x8: {  	[smem:$0x3FA2] =	sst s0  }
0x9: {  	[smem:$0x3FA3] =	sst s1  }
0xa: {  	[smem:$0x3FA4] =	sst s2  }
0xb: {  	[smem:$0x3FA5] =	sst s3  }
0xc: {  	[smem:$0x3FA6] =	sst s4  }
0xd: {  	[smem:$0x3FA7] =	sst s5  }
0xe: {  	[smem:$0x3FA8] =	sst s6  }
0xf: {  	[smem:$0x3FA9] =	sst s7  }
0x10: {  	[smem:$0x3FAA] =	sst s8  }
0x11: {  	[smem:$0x3FAB] =	sst s9;
	s0 =	simm.s32 @!p0 $0x0  }
0x12: {  	s1 =	sld [smem:$0x3F91];
	s0 =	simm.s32 @p0 $0x1  }
0x13: {  	[smem:$0x3FAC] =	sst s0;
	s0 =	simm.s32 @!p1 $0x0  }
0x14: {  	s2 =	sld [smem:$0x3F90];
	s0 =	simm.s32 @p1 $0x1  }
0x15: {  	[smem:$0x3FAD] =	sst s0;
	s0 =	simm.s32 @!p2 $0x0  }
0x16: {  	s3 =	sld [smem:$0x3FDB];
	s0 =	simm.s32 @p2 $0x1  }
0x17: {  	s4 =	simm.s32 $0x1BF5;
	[smem:$0x3FAF] =	sst s0  }
0x18: {  	s0 =	sld [smem:$0x3F92];
	_ =	swait.ge [sflag:s4], $0x0  }
0x19: {  	s7 =	sld [smem:$0x3F93]  }
0x1a: {  	s8 =	sadd.s32 $0xFFFFE003, lr  }
0x1b: {  	s9 =	sadd.s32 $0xFFFFFEF7, lr;
	s5 =	simm.s32 $0xFFFFFFFF;
	p2 =	slt.u32 s8, $0xFFFFF086  }
0x1c: {  	p1 =	slt.u32 s9, $0xF7A;
	s5 =	simm.s32 @!p2 $0x0  }
0x1d: {  	s5 =	simm.s32 @p1 $0x1;
	p0 =	seq.s32 s7, s2  }
0x1e: {  	s7 =	smul.u32 @!p0 $0xF7A, s2;
	p2 =	seq.s32 @!p0 s5, $0x0  }
0x1f: {  	s9 =	smul.u32 $0xF7A, s1;
	s8 =	simm.s32 @!p0 $0x1BF5;
	p2 =	por !p2, p0  }
0x20: {  	[sflag:s8] =	ssyncset.s32 @!p0 $0xFFFFF086;
	s6 =	sadd.s32 @!p0 s3, s7;
	s7 =	simm.s32 @!p0 $0x108  }
0x21: {  	s3 =	sadd.s32 s3, s9;
	s6 =	sadd.s32 @!p0 $0x88, s6;
	s7 =	simm.s32 @p2 $0x1082  }
0x22: {  	[simem:s7], [sflag:s8] =	dma.local @!p0 [hbm:s6], $0xF7A  }
0x23: {  	s9 =	sor.u32 $0xD0000000, s2;
	s6 =	simm.s32 $0x108;
	_ =	swait.ge @!p0 [sflag:s8], $0x0  }
0x24: {  	s3 =	sadd.s32 $0x88, s3;
	s6 =	simm.s32 @!p1 $0x1082;
	[sflag:s4] =	ssyncset.s32 $0xFFFFF086  }
0x25: {  	[simem:s6], [sflag:s4] =	dma.local [hbm:s3], $0xF7A  }
0x26: {  	[smem:$0x3F93] =	sst s1;
	(tag) =	ssettag s2;
	_ =	strace s9  }
0x27: {  	s1 =	sld [smem:$0x3FA3]  }
0x28: {  	s2 =	sld [smem:$0x3FA4]  }
0x29: {  	s4 =	sld [smem:$0x3FA6]  }
0x2a: {  	p0 =	seq.s32 s5, $0x0;
	s5 =	sld [smem:$0x3FA7]  }
0x2b: {  	s6 =	sld [smem:$0x3FA8]  }
0x2c: {  	s7 =	sld [smem:$0x3FA9]  }
0x2d: {  	s3 =	simm.s32 $0x108;
	s8 =	sld [smem:$0x3FAA]  }
0x2e: {  	s3 =	simm.s32 @!p0 $0x1082;
	s9 =	sld [smem:$0x3FAB]  }
0x2f: {  	lr =	sadd.s32 s0, s3;
	s0 =	sld [smem:$0x3FA2]  }
0x30: {  	s3 =	sld [smem:$0x3FA5]  }
0x31: {  	[smem:$0x3FAE] =	sst s10  }
0x32: {  	s10 =	sld [smem:$0x3FAC];
	_ =	sdelay $0x3  }
0x33: {  	p0 =	seq.s32 s10, $0x1;
	s10 =	sld [smem:$0x3FAE];
	_ =	sdelay $0x3  }
0x34: {  	[smem:$0x3FAE] =	sst s10  }
0x35: {  	s10 =	sld [smem:$0x3FAD];
	_ =	sdelay $0x3  }
0x36: {  	p1 =	seq.s32 s10, $0x1;
	s10 =	sld [smem:$0x3FAE];
	_ =	sdelay $0x3  }
0x37: {  	[smem:$0x3FAE] =	sst s10  }
0x38: {  	s10 =	sld [smem:$0x3FAF]  }
0x39: {  	_ = 	snop;
	(pc) =	sbr.ind lr, $3  }
0x3a: {  	_ = 	snop  }
0x3b: {  	_ = 	snop  }
0x3c: {  	p2 =	seq.s32 s10, $0x1;
	s10 =	sld [smem:$0x3FAE]  }
0x3d: {  	_ =	shalt  }
0x3e: {  	_ =	shalt  }
0x3f: {  	_ =	shalt  }
0x40: {  	_ =	shalt  }
0x41: {  	_ =	shalt  }
0x42: {  	_ =	shalt  }
0x43: {  	_ =	shalt  }
0x44: {  	_ =	shalt  }
0x45: {  	_ =	shalt  }
0x46: {  	_ =	shalt  }
0x47: {  	_ =	shalt  }
0x48: {  	_ =	shalt  }
0x49: {  	_ =	shalt  }
0x4a: {  	_ =	shalt  }
0x4b: {  	_ =	shalt  }
0x4c: {  	_ =	shalt  }
0x4d: {  	_ =	shalt  }
0x4e: {  	_ =	shalt  }
0x4f: {  	_ =	shalt  }
0x50: {  	_ =	shalt  }
0x51: {  	_ =	shalt  }
0x52: {  	_ =	shalt  }
0x53: {  	_ =	shalt  }
0x54: {  	_ =	shalt  }
0x55: {  	_ =	shalt  }
0x56: {  	_ =	shalt  }
0x57: {  	_ =	shalt  }
0x58: {  	_ =	shalt  }
0x59: {  	_ =	shalt  }
0x5a: {  	_ =	shalt  }
0x5b: {  	_ =	shalt  }
0x5c: {  	_ =	shalt  }
0x5d: {  	_ =	shalt  }
0x5e: {  	_ =	shalt  }
0x5f: {  	_ =	shalt  }
0x60: {  	_ =	shalt  }
0x61: {  	_ =	shalt  }
0x62: {  	_ =	shalt  }
0x63: {  	_ =	shalt  }
0x64: {  	_ =	shalt  }
0x65: {  	_ =	shalt  }
0x66: {  	_ =	shalt  }
0x67: {  	_ =	shalt  }
0x68: {  	_ =	shalt  }
0x69: {  	_ =	shalt  }
0x6a: {  	_ =	shalt  }
0x6b: {  	_ =	shalt  }
0x6c: {  	_ =	shalt  }
0x6d: {  	_ =	shalt  }
0x6e: {  	_ =	shalt  }
0x6f: {  	_ =	shalt  }
0x70: {  	_ =	shalt  }
0x71: {  	_ =	shalt  }
0x72: {  	_ =	shalt  }
0x73: {  	_ =	shalt  }
0x74: {  	_ =	shalt  }
0x75: {  	_ =	shalt  }
0x76: {  	_ =	shalt  }
0x77: {  	_ =	shalt  }
0x78: {  	_ =	shalt  }
0x79: {  	_ =	shalt  }
0x7a: {  	_ =	shalt  }
0x7b: {  	_ =	shalt  }
0x7c: {  	_ =	shalt  }
0x7d: {  	_ =	shalt  }
0x7e: {  	_ =	shalt  }
0x7f: {  	_ =	shalt  }
0x80: {  	_ =	shalt  }
0x81: {  	_ =	shalt  }
0x82: {  	_ =	shalt  }
0x83: {  	_ =	shalt  }
0x84: {  	_ =	shalt  }
0x85: {  	_ =	shalt  }
0x86: {  	_ =	shalt  }
0x87: {  	_ =	shalt  }
.Lfunc_end0:
.L_simem_size_0:
called_computation.1_lowered:
.L_overlay_start_0:
0x88: {  	s2 =	sld [smem:$0x3FD9]  }
0x89: {  	s3 =	sld [smem:$0x3FFE];
	_ =	sdelay $0x1  }
0x8a: {  	s1 =	srdreg.scid  }
0x8b: {  	s0 =	sand.u32 $0x1, s1  }
0x8c: {  	s17 =	sshll.u32 s0, $0xA;
	s2 =	sadd.s32 s3, s2  }
0x8d: {  	s2 =	sadd.s32 s2, s17  }
0x8e: {  	[smem:$0x3FBA] =	sst s2  }
0x8f: {  	_ = 	snop  }
0x90: {  	s2 =	sld [smem:$0x3FD0];
	(tm) =	ssettm $0x1  }
0x91: {  	s18 =	sld [smem:$0x3FFB];
	_ =	sdelay $0x3  }
0x92: {  	_ =	strace s18  }
0x93: {  	s3 =	sld [smem:$0x3FFC];
	_ =	sdelay $0x3  }
0x94: {  	_ =	strace s3  }
0x95: {  	s3 =	sld [smem:$0x3FFD];
	_ =	sdelay $0x3  }
0x96: {  	_ =	strace s3  }
0x97: {  	_ =	strace $0x8FFFFFFF  }
0x98: {  	s19 =	sld [smem:$0x3FDB];
	_ =	sdelay $0x1  }
0x99: {  	s4 =	simm.s32 $_scs_section_size  }
0x9a: {  	s5 =	simm.s32 $_size__tile_overlayer_lowered;
	s6 =	simm.s32 $_tile_overlayer_lowered  }
0x9b: {  	s22 =	simm.s32 $0x1BFF;
	s21 =	sshll.u32 s6, $0x1;
	s3 =	sadd.s32 s4, s19  }
0x9c: {  	s7 =	simm.s32 $0x0;
	s20 =	sshll.u32 s5, $0x1;
	s5 =	sadd.s32 s21, s3  }
0x9d: {  	[timem:s7], [sflag:s22] =	dma.local [hbm:s5], s20  }
0x9e: {  	_ =	swait.ge [sflag:s22], s20  }
0x9f: {  	s4 =	ssub.s32 $0x0, s20;
	[sflag:s22] =	ssyncset.done $0x0  }
0xa0: {  	[sflag:s22] =	ssyncadd.s32 s4;
	_ =	sdelay $0x1  }
0xa1: {  	s23 =	simm.s32 $0x1B8B  }
0xa2: {  	_ =	swait.ge [sflag:s23], $0x1  }
0xa3: {  	[sflag:s23] =	ssyncset.done $0x0  }
0xa4: {  	s25 =	simm.s32 $0x1B8E;
	s24 =	sld [smem:$0x3FFE];
	[sflag:s23] =	ssyncadd.s32 $0xFFFFFFFF  }
0xa5: {  	s26 =	simm.s32 $execute0_lowered;
	[smem:$0x3FD2] =	sst s25  }
0xa6: {  	s5 =	sshll.u32 s26, $0x1;
	_ =	strace $0x80000046;
	[dreg:$0x1] =	wrdreg $0xFFFFFFFF  }
0xa7: {  	s28 =	simm.s32 $_size_execute0_lowered;
	s3 =	sadd.s32 s3, s5;
	[dreg:$0x0] =	wrdreg $0x0  }
0xa8: {  	s5 =	sshll.u32 s28, $0x1;
	[dreg:$0x2] =	wrdreg s3  }
0xa9: {  	[dreg:$0x3] =	wrdreg s5  }
0xaa: {  	[dreg:$0x4] =	wrdreg $0xC0  }
0xab: {  	_ =	task [dreg:s7], $0x5FFFF  }
0xac: {  	[dreg:$0x1] =	wrdreg $0xFFFFFFFF  }
0xad: {  	[dreg:$0x0] =	wrdreg $0x60  }
0xae: {  	[dreg:$0x2] =	wrdreg s2  }
0xaf: {  	[dreg:$0x3] =	wrdreg s24  }
0xb0: {  	[dreg:$0x4] =	wrdreg $0x65000  }
0xb1: {  	[dreg:$0x5] =	wrdreg $0xA  }
0xb2: {  	_ =	task.clear_ibuf [dreg:s7], $0x6FFFF;
	_ =	strace $0x90000046  }
0xb3: {  	s29 =	simm.s32 $0xA;
	_ =	strace $0x80000048  }
0xb4: {  	_ =	swait.ge [sflag:s29], $0x1  }
0xb5: {  	[sflag:s29] =	ssyncadd.s32 $0xFFFFFFFF  }
0xb6: {  	_ =	strace $0x90000048  }
0xb7: {  	_ =	sfence  }
0xb8: {  	s30 =	sld [smem:$0x0];
	_ =	sdelay $0x2  }
0xb9: {  	s31 =	sshll.u32 s1, $0xD;
	s1 =	sshrl.u32 s1, $0x2  }
0xba: {  	s3 =	sand.u32 $0x4000, s31;
	s1 =	sadd.s32 s1, s30  }
0xbb: {  	s0 =	sor.u32 s3, s0;
	s1 =	sshll.u32 s1, $0x11  }
0xbc: {  	s0 =	sor.u32 s1, s0  }
0xbd: {  	s0 =	sadd.s32 $0x8F2B, s0  }
0xbe: {  	[sflag:s0] =	ssyncadd.remote.s32 $0x1  }
0xbf: {  	_ =	sfence.sel $0xFFFF  }
0xc0: {  	[dreg:$0x0] =	wrdreg $0xFFFFFFFF;
	(pc) =	sbr.abs _section_cstart, $3  }
0xc1: {  	[dreg:$0x1] =	wrdreg $0xFFFFFFFF  }
0xc2: {  	_ =	task.clear_ibuf [dreg:s7], $0x2FFFF;
	_ =	strace $0x9FFFFFFF  }
0xc3: {  	(tm) =	ssettm $0x7FFFFFFF  }
tec
execute0_lowered:
.L_overlay_start_1:
0x0: {  	(tag) =	ssettag $0x1  }
0x1: {  	s1 =	rddreg [dreg:$0x0]  }
0x2: {  	s0 =	srdreg.scid;
	s2 =	rddreg [dreg:$0x1]  }
0x3: {  	s14 =	stileid.u32;
	s3 =	rddreg [dreg:$0x2];
	s4 =	simm.s32 $0x0  }
0x4: {  	s17 =	simm.s32 $0x9;
	s18 =	simm.s32 $0x1400;
	s19 =	simm.s32 $0x28  }
0x5: {  	s20 =	simm.s32 $0x1500;
	s28 =	simm.s32 $0x6;
	s29 =	simm.s32 $0x1480  }
0x6: {  	s30 =	simm.s32 $0x2900;
	s31 =	simm.s32 $0x7;
	s6 =	smul.u32 $0x1388, s14  }
0x7: {  	s0 =	sand.u32 $0x1, s0;
	[smem:$0x7FF] =	sst s4;
	s9 =	smul.u32 $0x2800, s14  }
0x8: {  	s7 =	sadd.s32 $0x4F7C00, s2;
	s8 =	sadd.s32 $0x4E4000, s2;
	s13 =	smul.u32 $0x50000, s14  }
0x9: {  	s15 =	sadd.s32 $0x768C00, s2;
	s24 =	sshll.u32 s14, $0x6;
	s5 =	smul.u32 $0x13880, s0  }
0xa: {  	_ =	strace $0x80000047;
	s10 =	smul.u32 $0x28000, s0;
	s0 =	ssub.s32 $0x2, s0  }
0xb: {  	[dreg:$0x4] =	wrdreg s15;
	s21 =	sshrl.u32 s0, $0x1;
	s22 =	sshrl.u32 s13, $0x2  }
0xc: {  	s5 =	sadd.s32 s6, s5;
	s9 =	sadd.s32 s9, s10;
	s0 =	ssub.s32 s0, s21  }
0xd: {  	s23 =	sadd.s32 s22, s3;
	s10 =	sor.u32 $0x1C09, s24;
	s22 =	simm.s32 $0x1  }
0xe: {  	s24 =	simm.s32 $0x5;
	s6 =	sadd.s32 $0x27100, s5;
	s25 =	sshll.u32 s5, $0x4  }
0xf: {  	s15 =	smax.u32 s0, $0x1;
	s16 =	sshrl.u32 s23, $0x3;
	s23 =	simm.s32 $0x3  }
.Ltmp0:
0x10: {  	s0 =	simm.s32 $0x0;
	s11 =	sshrl.u32 s6, $0x3;
	(pc) =	sbr.rel .LBB2_1-.Ltmp0, $4  }
0x11: {  	s26 =	sadd.s32 s7, s25;
	s25 =	simm.s32 $0x2;
	s12 =	sadd.s32 s11, s2  }
0x12: {  	s2 =	sadd.s32 s9, s2;
	s11 =	sadd.s32 s8, s11;
	[dreg:$0x7] =	wrdreg s26  }
0x13: {  	s26 =	simm.s32 $0x4;
	s12 =	sadd.s32 $0x4EDE00, s12;
	[dreg:$0x6] =	wrdreg s11  }
0x14: {  	s14 =	sadd.s32 $0x76B400, s2;
	s2 =	simm.s32 $0x8;
	[dreg:$0x5] =	wrdreg s12  }
.LBB2_9:
0x15: {  	_ =	swait.ge [sflag:s31], $0x1400  }
0x16: {  	[sflag:s31] =	ssyncset.done $0x0  }
0x17: {  	[sflag:s31] =	ssyncadd.s32 $0xFFFFEC00  }
0x18: {  	_ =	swait.ge [sflag:s2], $0x1400  }
0x19: {  	s0 =	sadd.s32 $0x1, s0;
	[sflag:s2] =	ssyncset.done $0x0  }
0x1a: {  	p0 =	sne.s32 s0, s15;
	[sflag:s2] =	ssyncadd.s32 $0xFFFFEC00  }
.Ltmp1:
0x1b: {  	[bflag:$0x0] =	sbarrier.arrive $0xFFFF;
	(pc) =	sbr.rel @!p0 .LBB2_10-.Ltmp1, $4  }
0x1c: {  	[hbm:s14], [sflag:s10] =	dma.local [spmem:s16], $0x2800  }
0x1d: {  	_ =	swait.ge [sflag:s17], $0x2800  }
0x1e: {  	[sflag:s17] =	ssyncset.done $0x0  }
0x1f: {  	[sflag:s17] =	ssyncadd.s32 $0xFFFFD800  }
.LBB2_1:
0x20: {  	s9 =	rddreg [dreg:$0x4]  }
0x21: {  	[spmem:s16], [sflag:s10] =	dma.local [hbm:s9], $0x2800  }
0x22: {  	_ =	swait.ge [sflag:s17], $0x2800  }
0x23: {  	[sflag:s17] =	ssyncset.done $0x0  }
0x24: {  	s12 =	rddreg [dreg:$0x5];
	[sflag:s17] =	ssyncadd.s32 $0xFFFFD800  }
0x25: {  	[tilespmem:s4], [sflag:$0x9] =	stream.linear.gather [hbm4b:s12+s4], $0x1388, $0x38;
	[tilespmem:$0x1A500] =	vst v63  }
0x26: {  	_ =	swait.ge [sflag:s17], $0x1388  }
0x27: {  	[sflag:s17] =	ssyncset.done $0x0  }
0x28: {  	[sflag:s17] =	ssyncadd.s32 $0xFFFFEC78  }
0x29: {  	[bflag:$0x0] =	sbarrier.arrive $0xFFFF  }
0x2a: {  	s13 =	rddreg [dreg:$0x6]  }
0x2b: {  	[tilespmem:s18], [sflag:$0x5] =	stream.linear.gather [hbm4b:s13+s4], $0x28, $0x38;
	[tilespmem:$0x1A500] =	vst v63  }
.Ltmp2:
0x2c: {  	_ = 	snop;
	(pc) =	sbr.rel .LBB2_2-.Ltmp2, $4  }
0x2d: {  	[tilespmem:s20], [sflag:$0x1] =	stream.indirect.gather [hbm4b:s1+s19], $0x80, s4, s19, $0xb8;
	[tilespmem:$0x1A500] =	vst v63  }
0x2e: {  	s11 =	simm.s32 $0x3D00;
	s21 =	rddreg [dreg:$0x7]  }
0x2f: {  	[tilespmem:s11], [sflag:$0x3] =	stream.linear.gather [hbm4b:s21+s4], $0x1400, $0x38;
	[tilespmem:$0x1A500] =	vst v63  }
0x30: {  	s21 =	simm.s32 $0x0  }
.LBB2_8:
0x31: {  	s21 =	sadd.s32 $0x1, s21  }
0x32: {  	p0 =	sne.s32 s21, $0x3F  }
.Ltmp3:
0x33: {  	_ = 	snop;
	(pc) =	sbr.rel @!p0 .LBB2_9-.Ltmp3, $1  }
0x34: {  	_ =	sdelay $0x3  }
.LBB2_2:
0x35: {  	s9 =	sshllo.u32 s21, $0x1  }
0x36: {  	p0 =	sgt.u32 s9, $0x7C  }
0x37: {  	p1 =	seq.s32 @!p0 s21, $0x0  }
0x38: {  	p1 =	por p1, p0  }
0x39: {  	s9 =	smul.u32 @!p0 $0x28, s9;
	s11 =	simm.s32 @!p1 $0x8  }
0x3a: {  	_ =	swait.ge @!p1 [sflag:s11], $0x1400  }
0x3b: {  	s12 =	sadd.s32 @!p0 s6, s9;
	[sflag:s11] =	ssyncset.done @!p1 $0x0  }
0x3c: {  	[sflag:s11] =	ssyncadd.s32 @!p1 $0xFFFFEC00;
	s11 =	sshrl.u32 @!p0 s12, $0x3  }
0x3d: {  	s13 =	simm.s32 @!p0 $0x1480;
	s12 =	simm.s32 @!p0 $0x0;
	s11 =	sadd.s32 @!p0 s8, s11  }
0x3e: {  	[tilespmem:s13], [sflag:$0x6] =	stream.linear.gather @!p0 [hbm4b:s11+s12], $0x28, $0x38;
	[tilespmem:$0x1A500] =	vst v63  }
0x3f: {  	s11 =	simm.s32 @!p0 $0x28;
	s13 =	simm.s32 @!p0 $0x2900  }
0x40: {  	[tilespmem:s13], [sflag:$0x2] =	stream.indirect.gather @!p0 [hbm4b:s1+s11], $0x80, s9, s11, $0xb8;
	[tilespmem:$0x1A500] =	vst v63  }
0x41: {  	s9 =	sadd.s32 @!p0 s5, s9  }
0x42: {  	s9 =	sshll.u32 @!p0 s9, $0x4  }
0x43: {  	s11 =	simm.s32 @!p0 $0x5100;
	s9 =	sadd.s32 @!p0 s7, s9  }
0x44: {  	[tilespmem:s11], [sflag:$0x4] =	stream.linear.gather @!p0 [hbm4b:s9+s12], $0x1400, $0x38;
	[tilespmem:$0x1A500] =	vst v63  }
0x45: {  	_ =	swait.ge [sflag:s22], $0x1400  }
0x46: {  	[sflag:s22] =	ssyncset.done $0x0  }
0x47: {  	[sflag:s22] =	ssyncadd.s32 $0xFFFFEC00  }
0x48: {  	_ =	swait.ge [sflag:s23], $0x1400  }
0x49: {  	[sflag:s23] =	ssyncset.done $0x0  }
0x4a: {  	s9 =	simm.s32 $0x0;
	[sflag:s23] =	ssyncadd.s32 $0xFFFFEC00  }
0x4b: {  	v7 =	vld [tilespmem:s9+$0x3D00]  }
0x4c: {  	v11 =	vld [tilespmem:s9+$0x3D10]  }
0x4d: {  	v5 =	vld [tilespmem:s9+$0x3D20]  }
0x4e: {  	v4 =	vld [tilespmem:s9+$0x3D30]  }
0x4f: {  	v3 =	vld [tilespmem:s9+$0x3D40]  }
0x50: {  	v2 =	vld [tilespmem:s9+$0x3D50]  }
0x51: {  	v1 =	vld [tilespmem:s9+$0x3D60]  }
0x52: {  	v0 =	vld [tilespmem:s9+$0x3D70]  }
0x53: {  	v12 =	vld [tilespmem:s9+$0x1500]  }
0x54: {  	v13 =	vld [tilespmem:s9+$0x1510]  }
0x55: {  	v10 =	vld [tilespmem:s9+$0x1520]  }
0x56: {  	v9 =	vld [tilespmem:s9+$0x1530]  }
0x57: {  	v8 =	vld [tilespmem:s9+$0x1540]  }
0x58: {  	v6 =	vld [tilespmem:s9+$0x1550];
	v12 =	vmul.f32 v7, v12  }
0x59: {  	s11 =	simm.s32 $0x200;
	v11 =	vmul.f32 v11, v13;
	v7 =	vld [tilespmem:s9+$0x1560]  }
.LBB2_3:
0x5a: {  	s12 =	sshra.s32 s11, $0x2;
	p1 =	sne.s32 s11, $0x4E00;
	[tilespmem:s9+$0x1500] =	vst v12;
	v5 =	vmul.f32 v5, v10;
	v10 =	vld [tilespmem:s9+$0x1570]  }
0x5b: {  	v12 =	vld [tilespmem:s12+$0x3D00];
	[tilespmem:s9+$0x1510] =	vst v11;
	v4 =	vmul.f32 v4, v9  }
0x5c: {  	v11 =	vld [tilespmem:s12+$0x3D10];
	[tilespmem:s9+$0x1520] =	vst v5;
	v3 =	vmul.f32 v3, v8  }
0x5d: {  	v5 =	vld [tilespmem:s12+$0x3D20];
	[tilespmem:s9+$0x1530] =	vst v4;
	v2 =	vmul.f32 v2, v6  }
0x5e: {  	v4 =	vld [tilespmem:s12+$0x3D30];
	[tilespmem:s9+$0x1540] =	vst v3;
	v1 =	vmul.f32 v1, v7  }
0x5f: {  	v3 =	vld [tilespmem:s12+$0x3D40];
	[tilespmem:s9+$0x1550] =	vst v2;
	v0 =	vmul.f32 v0, v10  }
0x60: {  	v2 =	vld [tilespmem:s12+$0x3D50];
	[tilespmem:s9+$0x1560] =	vst v1  }
0x61: {  	v1 =	vld [tilespmem:s12+$0x3D60];
	[tilespmem:s9+$0x1570] =	vst v0;
	s9 =	smov.u32 s12  }
0x62: {  	v0 =	vld [tilespmem:s9+$0x3D70]  }
0x63: {  	v6 =	vld [tilespmem:s9+$0x1500]  }
0x64: {  	v7 =	vld [tilespmem:s9+$0x1510]  }
.Ltmp4:
0x65: {  	v10 =	vld [tilespmem:s9+$0x1520];
	(pc) =	sbr.rel @p1 .LBB2_3-.Ltmp4, $4  }
0x66: {  	v9 =	vld [tilespmem:s9+$0x1530]  }
0x67: {  	v8 =	vld [tilespmem:s9+$0x1540]  }
0x68: {  	v12 =	vmul.f32 v12, v6;
	v6 =	vld [tilespmem:s9+$0x1550]  }
0x69: {  	s11 =	sadd.s32 $0x200, s11;
	v11 =	vmul.f32 v11, v7;
	v7 =	vld [tilespmem:s9+$0x1560]  }
0x6a: {  	[tilespmem:s9+$0x1500] =	vst v12;
	v5 =	vmul.f32 v5, v10;
	v63 =	vld [tilespmem:s9+$0x1570]  }
0x6b: {  	[tilespmem:s9+$0x1510] =	vst v11;
	v4 =	vmul.f32 v4, v9  }
0x6c: {  	[tilespmem:s9+$0x1520] =	vst v5;
	v3 =	vmul.f32 v3, v8  }
0x6d: {  	[tilespmem:s9+$0x1530] =	vst v4;
	v2 =	vmul.f32 v2, v6  }
0x6e: {  	[tilespmem:s9+$0x1540] =	vst v3;
	v1 =	vmul.f32 v1, v7  }
0x6f: {  	[tilespmem:s9+$0x1550] =	vst v2;
	v0 =	vmul.f32 v0, v63  }
0x70: {  	[tilespmem:s9+$0x1560] =	vst v1  }
0x71: {  	[tilespmem:s9+$0x1570] =	vst v0  }
0x72: {  	_ =	swait.ge [sflag:s24], $0x28  }
0x73: {  	p1 =	seq.s32 s21, $0x3E;
	[sflag:s24] =	ssyncset.done $0x0  }
0x74: {  	s11 =	simm.s32 @!p1 $0x7;
	s9 =	smul.u32 @!p1 $0x50, s21;
	[sflag:s24] =	ssyncadd.s32 $0xFFFFFFD8  }
0x75: {  	[spmem:s3] =	stream.indirect.scatter.add.f32 [tilespmem:s20], [sflag:$0x7], $0x80, s18, s19, $0xb8;
	[tilespmem:$0x1A500] =	vst v63  }
0x76: {  	s9 =	sadd.s32 @!p1 $0x50, s9;
	_ =	swait.ge @!p1 [sflag:s11], $0x1400  }
0x77: {  	s12 =	sadd.s32 @!p1 s6, s9;
	[sflag:s11] =	ssyncset.done @!p1 $0x0  }
0x78: {  	[sflag:s11] =	ssyncadd.s32 @!p1 $0xFFFFEC00;
	s11 =	sshrl.u32 @!p1 s12, $0x3  }
0x79: {  	s13 =	simm.s32 @!p1 $0x1400;
	s12 =	simm.s32 @!p1 $0x0;
	s11 =	sadd.s32 @!p1 s8, s11  }
0x7a: {  	[tilespmem:s13], [sflag:$0x5] =	stream.linear.gather @!p1 [hbm4b:s11+s12], $0x28, $0x38;
	[tilespmem:$0x1A500] =	vst v63  }
0x7b: {  	s11 =	simm.s32 @!p1 $0x28;
	s13 =	simm.s32 @!p1 $0x1500  }
0x7c: {  	[tilespmem:s13], [sflag:$0x1] =	stream.indirect.gather @!p1 [hbm4b:s1+s11], $0x80, s9, s11, $0xb8;
	[tilespmem:$0x1A500] =	vst v63  }
.Ltmp5:
0x7d: {  	_ = 	snop;
	(pc) =	sbr.rel @p0 .LBB2_8-.Ltmp5, $4  }
0x7e: {  	s9 =	sadd.s32 @!p1 s5, s9  }
0x7f: {  	s9 =	sshll.u32 @!p1 s9, $0x4  }
0x80: {  	s11 =	simm.s32 @!p1 $0x3D00;
	s9 =	sadd.s32 @!p1 s7, s9  }
0x81: {  	[tilespmem:s11], [sflag:$0x3] =	stream.linear.gather @!p1 [hbm4b:s9+s12], $0x1400, $0x38;
	[tilespmem:$0x1A500] =	vst v63  }
0x82: {  	_ =	swait.ge [sflag:s25], $0x1400  }
0x83: {  	[sflag:s25] =	ssyncset.done $0x0  }
0x84: {  	[sflag:s25] =	ssyncadd.s32 $0xFFFFEC00  }
0x85: {  	_ =	swait.ge [sflag:s26], $0x1400  }
0x86: {  	[sflag:s26] =	ssyncset.done $0x0  }
0x87: {  	s9 =	simm.s32 $0x0;
	[sflag:s26] =	ssyncadd.s32 $0xFFFFEC00  }
0x88: {  	v7 =	vld [tilespmem:s9+$0x5100]  }
0x89: {  	v11 =	vld [tilespmem:s9+$0x5110]  }
0x8a: {  	v5 =	vld [tilespmem:s9+$0x5120]  }
0x8b: {  	v4 =	vld [tilespmem:s9+$0x5130]  }
0x8c: {  	v3 =	vld [tilespmem:s9+$0x5140]  }
0x8d: {  	v2 =	vld [tilespmem:s9+$0x5150]  }
0x8e: {  	v1 =	vld [tilespmem:s9+$0x5160]  }
0x8f: {  	v0 =	vld [tilespmem:s9+$0x5170]  }
0x90: {  	v12 =	vld [tilespmem:s9+$0x2900]  }
0x91: {  	v13 =	vld [tilespmem:s9+$0x2910]  }
0x92: {  	v10 =	vld [tilespmem:s9+$0x2920]  }
0x93: {  	v9 =	vld [tilespmem:s9+$0x2930]  }
0x94: {  	v8 =	vld [tilespmem:s9+$0x2940]  }
0x95: {  	v6 =	vld [tilespmem:s9+$0x2950];
	v12 =	vmul.f32 v7, v12  }
0x96: {  	s11 =	simm.s32 $0x200;
	v11 =	vmul.f32 v11, v13;
	v7 =	vld [tilespmem:s9+$0x2960]  }
.LBB2_6:
0x97: {  	s12 =	sshra.s32 s11, $0x2;
	p0 =	sne.s32 s11, $0x4E00;
	[tilespmem:s9+$0x2900] =	vst v12;
	v5 =	vmul.f32 v5, v10;
	v10 =	vld [tilespmem:s9+$0x2970]  }
0x98: {  	v12 =	vld [tilespmem:s12+$0x5100];
	[tilespmem:s9+$0x2910] =	vst v11;
	v4 =	vmul.f32 v4, v9  }
0x99: {  	v11 =	vld [tilespmem:s12+$0x5110];
	[tilespmem:s9+$0x2920] =	vst v5;
	v3 =	vmul.f32 v3, v8  }
0x9a: {  	v5 =	vld [tilespmem:s12+$0x5120];
	[tilespmem:s9+$0x2930] =	vst v4;
	v2 =	vmul.f32 v2, v6  }
0x9b: {  	v4 =	vld [tilespmem:s12+$0x5130];
	[tilespmem:s9+$0x2940] =	vst v3;
	v1 =	vmul.f32 v1, v7  }
0x9c: {  	v3 =	vld [tilespmem:s12+$0x5140];
	[tilespmem:s9+$0x2950] =	vst v2;
	v0 =	vmul.f32 v0, v10  }
0x9d: {  	v2 =	vld [tilespmem:s12+$0x5150];
	[tilespmem:s9+$0x2960] =	vst v1  }
0x9e: {  	v1 =	vld [tilespmem:s12+$0x5160];
	[tilespmem:s9+$0x2970] =	vst v0;
	s9 =	smov.u32 s12  }
0x9f: {  	v0 =	vld [tilespmem:s9+$0x5170]  }
0xa0: {  	v6 =	vld [tilespmem:s9+$0x2900]  }
0xa1: {  	v7 =	vld [tilespmem:s9+$0x2910]  }
.Ltmp6:
0xa2: {  	v10 =	vld [tilespmem:s9+$0x2920];
	(pc) =	sbr.rel @p0 .LBB2_6-.Ltmp6, $4  }
0xa3: {  	v9 =	vld [tilespmem:s9+$0x2930]  }
0xa4: {  	v8 =	vld [tilespmem:s9+$0x2940]  }
0xa5: {  	v12 =	vmul.f32 v12, v6;
	v6 =	vld [tilespmem:s9+$0x2950]  }
0xa6: {  	s11 =	sadd.s32 $0x200, s11;
	v11 =	vmul.f32 v11, v7;
	v7 =	vld [tilespmem:s9+$0x2960]  }
0xa7: {  	[tilespmem:s9+$0x2900] =	vst v12;
	v5 =	vmul.f32 v5, v10;
	v63 =	vld [tilespmem:s9+$0x2970]  }
0xa8: {  	[tilespmem:s9+$0x2910] =	vst v11;
	v4 =	vmul.f32 v4, v9  }
0xa9: {  	[tilespmem:s9+$0x2920] =	vst v5;
	v3 =	vmul.f32 v3, v8  }
0xaa: {  	[tilespmem:s9+$0x2930] =	vst v4;
	v2 =	vmul.f32 v2, v6  }
0xab: {  	[tilespmem:s9+$0x2940] =	vst v3;
	v1 =	vmul.f32 v1, v7  }
0xac: {  	[tilespmem:s9+$0x2950] =	vst v2;
	v0 =	vmul.f32 v0, v63  }
0xad: {  	[tilespmem:s9+$0x2960] =	vst v1  }
.Ltmp7:
0xae: {  	[tilespmem:s9+$0x2970] =	vst v0;
	(pc) =	sbr.rel .LBB2_8-.Ltmp7, $4  }
0xaf: {  	_ =	swait.ge [sflag:s28], $0x28  }
0xb0: {  	[sflag:s28] =	ssyncset.done $0x0  }
0xb1: {  	[sflag:s28] =	ssyncadd.s32 $0xFFFFFFD8  }
0xb2: {  	[spmem:s3] =	stream.indirect.scatter.add.f32 [tilespmem:s30], [sflag:$0x8], $0x80, s29, s19, $0xb8;
	[tilespmem:$0x1A500] =	vst v63  }
.LBB2_10:
0xb3: {  	_ =	sfence.sel $0x180000  }
0xb4: {  	[bflag:$0x0] =	sbarrier.arrive $0xFFFF  }
0xb5: {  	_ =	strace $0x90000047  }
0xb6: {  	s0 =	stileid.u32;
	[bflag:$0x2] =	sbarrier.arrive $0xFFFF  }
0xb7: {  	p0 =	sne.s32 s0, $0x0;
	s0 =	rddreg [dreg:$0x3]  }
0xb8: {  	s0 =	sadd.s32 @!p0 $0x100000, s0  }
0xb9: {  	[sflag:s0] =	ssyncadd.tile.s32 @!p0 $0x1;
	_ =	shalt  }
.Lfunc_end2:
_tile_overlayer_lowered:
.L_overlay_start_2:
0xba: {  	(tag) =	ssettag $0x2  }
0xbb: {  	s0 =	rddreg [dreg:$0x0];
	s2 =	stileid.u32  }
0xbc: {  	s1 =	rddreg [dreg:$0x1];
	p0 =	sne.s32 s2, $0x0  }
0xbd: {  	s3 =	rddreg [dreg:$0x2];
	[bflag:$0x3] =	sbarrier.arrive $0xFFFF;
	s2 =	simm.s32 @!p0 $0x1C09  }
0xbe: {  	[timem:s3], [sflag:s2] =	dma.local @!p0 [hbm:s0], s1  }
0xbf: {  	s0 =	simm.s32 @!p0 $0x9  }
0xc0: {  	_ =	swait.ge @!p0 [sflag:s0], s1  }
0xc1: {  	s1 =	ssub.s32 @!p0 $0x0, s1;
	[sflag:s0] =	ssyncset.done @!p0 $0x0  }
0xc2: {  	[sflag:s0] =	ssyncadd.s32 @!p0 s1  }
0xc3: {  	[bflag:$0x3] =	sbarrier.arrive $0xFFFF  }
0xc4: {  	_ =	shalt  }

// kernel: kernel.8.cloned.1.call-start
scs
__scs_entry_jumppad:
0x0: {  	(pc) =	sbr.rel $0x88, $3  }
0x1: {  	(tag) =	ssettag $0x0;
	lr =	simm.s32 $0x1  }
0x2: {  	[smem:$0x3F93] =	sst lr;
	_ =	strace $0xD0000000  }
0x3: {  	_ = 	snop  }
0x4: {  	_ = 	snop  }
0x5: {  	_ = 	snop  }
0x6: {  	_ = 	snop  }
0x7: {  	_ = 	snop  }
__scs_overlays_trampoline_lowered:
0x8: {  	[smem:$0x3FA2] =	sst s0  }
0x9: {  	[smem:$0x3FA3] =	sst s1  }
0xa: {  	[smem:$0x3FA4] =	sst s2  }
0xb: {  	[smem:$0x3FA5] =	sst s3  }
0xc: {  	[smem:$0x3FA6] =	sst s4  }
0xd: {  	[smem:$0x3FA7] =	sst s5  }
0xe: {  	[smem:$0x3FA8] =	sst s6  }
0xf: {  	[smem:$0x3FA9] =	sst s7  }
0x10: {  	[smem:$0x3FAA] =	sst s8  }
0x11: {  	[smem:$0x3FAB] =	sst s9;
	s0 =	simm.s32 @!p0 $0x0  }
0x12: {  	s1 =	sld [smem:$0x3F91];
	s0 =	simm.s32 @p0 $0x1  }
0x13: {  	[smem:$0x3FAC] =	sst s0;
	s0 =	simm.s32 @!p1 $0x0  }
0x14: {  	s2 =	sld [smem:$0x3F90];
	s0 =	simm.s32 @p1 $0x1  }
0x15: {  	[smem:$0x3FAD] =	sst s0;
	s0 =	simm.s32 @!p2 $0x0  }
0x16: {  	s3 =	sld [smem:$0x3FDB];
	s0 =	simm.s32 @p2 $0x1  }
0x17: {  	s4 =	simm.s32 $0x1BF5;
	[smem:$0x3FAF] =	sst s0  }
0x18: {  	s0 =	sld [smem:$0x3F92];
	_ =	swait.ge [sflag:s4], $0x0  }
0x19: {  	s7 =	sld [smem:$0x3F93]  }
0x1a: {  	s8 =	sadd.s32 $0xFFFFE003, lr  }
0x1b: {  	s9 =	sadd.s32 $0xFFFFFEF7, lr;
	s5 =	simm.s32 $0xFFFFFFFF;
	p2 =	slt.u32 s8, $0xFFFFF086  }
0x1c: {  	p1 =	slt.u32 s9, $0xF7A;
	s5 =	simm.s32 @!p2 $0x0  }
0x1d: {  	s5 =	simm.s32 @p1 $0x1;
	p0 =	seq.s32 s7, s2  }
0x1e: {  	s7 =	smul.u32 @!p0 $0xF7A, s2;
	p2 =	seq.s32 @!p0 s5, $0x0  }
0x1f: {  	s9 =	smul.u32 $0xF7A, s1;
	s8 =	simm.s32 @!p0 $0x1BF5;
	p2 =	por !p2, p0  }
0x20: {  	[sflag:s8] =	ssyncset.s32 @!p0 $0xFFFFF086;
	s6 =	sadd.s32 @!p0 s3, s7;
	s7 =	simm.s32 @!p0 $0x108  }
0x21: {  	s3 =	sadd.s32 s3, s9;
	s6 =	sadd.s32 @!p0 $0x88, s6;
	s7 =	simm.s32 @p2 $0x1082  }
0x22: {  	[simem:s7], [sflag:s8] =	dma.local @!p0 [hbm:s6], $0xF7A  }
0x23: {  	s9 =	sor.u32 $0xD0000000, s2;
	s6 =	simm.s32 $0x108;
	_ =	swait.ge @!p0 [sflag:s8], $0x0  }
0x24: {  	s3 =	sadd.s32 $0x88, s3;
	s6 =	simm.s32 @!p1 $0x1082;
	[sflag:s4] =	ssyncset.s32 $0xFFFFF086  }
0x25: {  	[simem:s6], [sflag:s4] =	dma.local [hbm:s3], $0xF7A  }
0x26: {  	[smem:$0x3F93] =	sst s1;
	(tag) =	ssettag s2;
	_ =	strace s9  }
0x27: {  	s1 =	sld [smem:$0x3FA3]  }
0x28: {  	s2 =	sld [smem:$0x3FA4]  }
0x29: {  	s4 =	sld [smem:$0x3FA6]  }
0x2a: {  	p0 =	seq.s32 s5, $0x0;
	s5 =	sld [smem:$0x3FA7]  }
0x2b: {  	s6 =	sld [smem:$0x3FA8]  }
0x2c: {  	s7 =	sld [smem:$0x3FA9]  }
0x2d: {  	s3 =	simm.s32 $0x108;
	s8 =	sld [smem:$0x3FAA]  }
0x2e: {  	s3 =	simm.s32 @!p0 $0x1082;
	s9 =	sld [smem:$0x3FAB]  }
0x2f: {  	lr =	sadd.s32 s0, s3;
	s0 =	sld [smem:$0x3FA2]  }
0x30: {  	s3 =	sld [smem:$0x3FA5]  }
0x31: {  	[smem:$0x3FAE] =	sst s10  }
0x32: {  	s10 =	sld [smem:$0x3FAC];
	_ =	sdelay $0x3  }
0x33: {  	p0 =	seq.s32 s10, $0x1;
	s10 =	sld [smem:$0x3FAE];
	_ =	sdelay $0x3  }
0x34: {  	[smem:$0x3FAE] =	sst s10  }
0x35: {  	s10 =	sld [smem:$0x3FAD];
	_ =	sdelay $0x3  }
0x36: {  	p1 =	seq.s32 s10, $0x1;
	s10 =	sld [smem:$0x3FAE];
	_ =	sdelay $0x3  }
0x37: {  	[smem:$0x3FAE] =	sst s10  }
0x38: {  	s10 =	sld [smem:$0x3FAF]  }
0x39: {  	_ = 	snop;
	(pc) =	sbr.ind lr, $3  }
0x3a: {  	_ = 	snop  }
0x3b: {  	_ = 	snop  }
0x3c: {  	p2 =	seq.s32 s10, $0x1;
	s10 =	sld [smem:$0x3FAE]  }
0x3d: {  	_ =	shalt  }
0x3e: {  	_ =	shalt  }
0x3f: {  	_ =	shalt  }
0x40: {  	_ =	shalt  }
0x41: {  	_ =	shalt  }
0x42: {  	_ =	shalt  }
0x43: {  	_ =	shalt  }
0x44: {  	_ =	shalt  }
0x45: {  	_ =	shalt  }
0x46: {  	_ =	shalt  }
0x47: {  	_ =	shalt  }
0x48: {  	_ =	shalt  }
0x49: {  	_ =	shalt  }
0x4a: {  	_ =	shalt  }
0x4b: {  	_ =	shalt  }
0x4c: {  	_ =	shalt  }
0x4d: {  	_ =	shalt  }
0x4e: {  	_ =	shalt  }
0x4f: {  	_ =	shalt  }
0x50: {  	_ =	shalt  }
0x51: {  	_ =	shalt  }
0x52: {  	_ =	shalt  }
0x53: {  	_ =	shalt  }
0x54: {  	_ =	shalt  }
0x55: {  	_ =	shalt  }
0x56: {  	_ =	shalt  }
0x57: {  	_ =	shalt  }
0x58: {  	_ =	shalt  }
0x59: {  	_ =	shalt  }
0x5a: {  	_ =	shalt  }
0x5b: {  	_ =	shalt  }
0x5c: {  	_ =	shalt  }
0x5d: {  	_ =	shalt  }
0x5e: {  	_ =	shalt  }
0x5f: {  	_ =	shalt  }
0x60: {  	_ =	shalt  }
0x61: {  	_ =	shalt  }
0x62: {  	_ =	shalt  }
0x63: {  	_ =	shalt  }
0x64: {  	_ =	shalt  }
0x65: {  	_ =	shalt  }
0x66: {  	_ =	shalt  }
0x67: {  	_ =	shalt  }
0x68: {  	_ =	shalt  }
0x69: {  	_ =	shalt  }
0x6a: {  	_ =	shalt  }
0x6b: {  	_ =	shalt  }
0x6c: {  	_ =	shalt  }
0x6d: {  	_ =	shalt  }
0x6e: {  	_ =	shalt  }
0x6f: {  	_ =	shalt  }
0x70: {  	_ =	shalt  }
0x71: {  	_ =	shalt  }
0x72: {  	_ =	shalt  }
0x73: {  	_ =	shalt  }
0x74: {  	_ =	shalt  }
0x75: {  	_ =	shalt  }
0x76: {  	_ =	shalt  }
0x77: {  	_ =	shalt  }
0x78: {  	_ =	shalt  }
0x79: {  	_ =	shalt  }
0x7a: {  	_ =	shalt  }
0x7b: {  	_ =	shalt  }
0x7c: {  	_ =	shalt  }
0x7d: {  	_ =	shalt  }
0x7e: {  	_ =	shalt  }
0x7f: {  	_ =	shalt  }
0x80: {  	_ =	shalt  }
0x81: {  	_ =	shalt  }
0x82: {  	_ =	shalt  }
0x83: {  	_ =	shalt  }
0x84: {  	_ =	shalt  }
0x85: {  	_ =	shalt  }
0x86: {  	_ =	shalt  }
0x87: {  	_ =	shalt  }
.Lfunc_end0:
.L_simem_size_0:
called_computation_lowered:
.L_overlay_start_0:
0x88: {  	s2 =	sld [smem:$0x3FD9]  }
0x89: {  	s3 =	sld [smem:$0x3FFE];
	_ =	sdelay $0x1  }
0x8a: {  	s1 =	srdreg.scid  }
0x8b: {  	s0 =	sand.u32 $0x1, s1  }
0x8c: {  	s17 =	sshll.u32 s0, $0xA;
	s2 =	sadd.s32 s3, s2  }
0x8d: {  	s2 =	sadd.s32 s2, s17  }
0x8e: {  	[smem:$0x3FBA] =	sst s2  }
0x8f: {  	_ = 	snop  }
0x90: {  	s18 =	sld [smem:$0x3FD0];
	(tm) =	ssettm $0x1  }
0x91: {  	s19 =	sld [smem:$0x3FFB];
	_ =	sdelay $0x3  }
0x92: {  	_ =	strace s19  }
0x93: {  	s2 =	sld [smem:$0x3FFC];
	_ =	sdelay $0x3  }
0x94: {  	_ =	strace s2  }
0x95: {  	s2 =	sld [smem:$0x3FFD];
	_ =	sdelay $0x3  }
0x96: {  	_ =	strace s2  }
0x97: {  	_ =	strace $0x8FFFFFFF  }
0x98: {  	s20 =	sld [smem:$0x3FDB];
	_ =	sdelay $0x1  }
0x99: {  	s4 =	simm.s32 $_scs_section_size  }
0x9a: {  	s5 =	simm.s32 $_size__tile_overlayer_lowered;
	s6 =	simm.s32 $_tile_overlayer_lowered  }
0x9b: {  	s7 =	simm.s32 $0x1BFF;
	s21 =	sshll.u32 s6, $0x1;
	s4 =	sadd.s32 s4, s20  }
0x9c: {  	s22 =	simm.s32 $0x0;
	s5 =	sshll.u32 s5, $0x1;
	s6 =	sadd.s32 s21, s4  }
0x9d: {  	[timem:s22], [sflag:s7] =	dma.local [hbm:s6], s5  }
0x9e: {  	_ =	swait.ge [sflag:s7], s5  }
0x9f: {  	s5 =	ssub.s32 $0x0, s5;
	[sflag:s7] =	ssyncset.done $0x0  }
0xa0: {  	[sflag:s7] =	ssyncadd.s32 s5;
	_ =	sdelay $0x1  }
0xa1: {  	s23 =	simm.s32 $0x1B8B  }
0xa2: {  	_ =	swait.ge [sflag:s23], $0x1  }
0xa3: {  	[sflag:s23] =	ssyncset.done $0x0  }
0xa4: {  	[sflag:s23] =	ssyncadd.s32 $0xFFFFFFFF  }
0xa5: {  	s5 =	sld [smem:$0x0]  }
0xa6: {  	s6 =	sand.u32 $0xFFFFFFFE, s1  }
0xa7: {  	p0 =	sne.s32 s1, s6  }
0xa8: {  	s6 =	sshll.u32 @p0 s6, $0xE  }
0xa9: {  	s6 =	sadd.s32 @p0 $0x11B8D, s6;
	s7 =	sshll.u32 @p0 s5, $0x11  }
0xaa: {  	s6 =	sor.u32 @p0 s7, s6  }
0xab: {  	[sflag:s6] =	ssyncadd.remote.s32 @p0 $0x1;
	_ =	sdelay $0x1  }
0xac: {  	s6 =	simm.s32 @p0 $0x1B8D  }
0xad: {  	_ =	swait.eq @p0 [sflag:s6], $0x1  }
0xae: {  	[sflag:s6] =	ssyncadd.s32 @p0 $0xFFFFFFFF  }
0xaf: {  	s7 =	sshll.u32 @!p0 s1, $0xE  }
0xb0: {  	s7 =	sor.u32 @!p0 $0x4000, s7;
	s6 =	simm.s32 @!p0 $0x1B8D  }
0xb1: {  	s5 =	sshll.u32 @!p0 s5, $0x11;
	s7 =	sadd.s32 @!p0 $0x11B8D, s7;
	_ =	swait.eq @!p0 [sflag:s6], $0x1  }
0xb2: {  	s5 =	sor.u32 @!p0 s5, s7;
	[sflag:s6] =	ssyncadd.s32 @!p0 $0xFFFFFFFF  }
0xb3: {  	s25 =	simm.s32 $0x1B8E;
	s24 =	sld [smem:$0x3FFE];
	[sflag:s5] =	ssyncadd.remote.s32 @!p0 $0x1  }
0xb4: {  	s26 =	simm.s32 $execute0_lowered;
	[smem:$0x3FD2] =	sst s25  }
0xb5: {  	s6 =	sshll.u32 s26, $0x1;
	_ =	strace $0x80000049;
	[dreg:$0x1] =	wrdreg $0xFFFFFFFF  }
0xb6: {  	s28 =	simm.s32 $_size_execute0_lowered;
	s4 =	sadd.s32 s4, s6;
	[dreg:$0x0] =	wrdreg $0x0  }
0xb7: {  	s6 =	sshll.u32 s28, $0x1;
	[dreg:$0x2] =	wrdreg s4  }
0xb8: {  	[dreg:$0x3] =	wrdreg s6  }
0xb9: {  	[dreg:$0x4] =	wrdreg $0xC0  }
0xba: {  	_ =	task [dreg:s22], $0x5FFFF  }
0xbb: {  	[dreg:$0x1] =	wrdreg $0xFFFFFFFF  }
0xbc: {  	[dreg:$0x0] =	wrdreg $0x60  }
0xbd: {  	[dreg:$0x2] =	wrdreg s18  }
0xbe: {  	[dreg:$0x3] =	wrdreg s24  }
0xbf: {  	[dreg:$0x4] =	wrdreg $0x65000  }
0xc0: {  	[dreg:$0x5] =	wrdreg $0x9  }
0xc1: {  	_ =	task.clear_ibuf [dreg:s22], $0x6FFFF;
	_ =	strace $0x90000049  }
0xc2: {  	s29 =	simm.s32 $0x9;
	_ =	strace $0x8000004B  }
0xc3: {  	_ =	swait.ge [sflag:s29], $0x1  }
0xc4: {  	[sflag:s29] =	ssyncadd.s32 $0xFFFFFFFF  }
0xc5: {  	_ =	strace $0x9000004B  }
0xc6: {  	_ =	sfence  }
0xc7: {  	s30 =	sld [smem:$0x0];
	_ =	sdelay $0x2  }
0xc8: {  	s31 =	sshll.u32 s1, $0xD;
	s1 =	sshrl.u32 s1, $0x2  }
0xc9: {  	s4 =	sand.u32 $0x4000, s31;
	s1 =	sadd.s32 s1, s30  }
0xca: {  	s0 =	sor.u32 s4, s0;
	s1 =	sshll.u32 s1, $0x11  }
0xcb: {  	s0 =	sor.u32 s1, s0  }
0xcc: {  	s0 =	sadd.s32 $0x8F2B, s0  }
0xcd: {  	[sflag:s0] =	ssyncadd.remote.s32 $0x1  }
0xce: {  	_ =	sfence.sel $0xFFFF  }
0xcf: {  	[dreg:$0x0] =	wrdreg $0xFFFFFFFF;
	(pc) =	sbr.abs _section_cstart, $3  }
0xd0: {  	[dreg:$0x1] =	wrdreg $0xFFFFFFFF  }
0xd1: {  	_ =	task.clear_ibuf [dreg:s22], $0x2FFFF;
	_ =	strace $0x9FFFFFFF  }
0xd2: {  	(tm) =	ssettm $0x7FFFFFFF  }
0xd3: {  	_ =	shalt  }
tec
execute0_lowered:
.L_overlay_start_1:
0x0: {  	(tag) =	ssettag $0x1  }
0x1: {  	s0 =	rddreg [dreg:$0x0]  }
0x2: {  	s1 =	rddreg [dreg:$0x1];
	s2 =	srdreg.scid  }
0x3: {  	s3 =	rddreg [dreg:$0x2];
	s13 =	stileid.u32  }
0x4: {  	s4 =	simm.s32 $0x0;
	s16 =	simm.s32 $0x9;
	s17 =	simm.s32 $0x1400  }
0x5: {  	s18 =	simm.s32 $0x28;
	s19 =	simm.s32 $0x1500;
	s28 =	simm.s32 $0x1480  }
0x6: {  	s29 =	simm.s32 $0x2900;
	s30 =	simm.s32 $0x7;
	s6 =	smul.u32 $0x1388, s13  }
0x7: {  	s31 =	simm.s32 $0x8;
	s2 =	sand.u32 $0x1, s2;
	s8 =	smul.u32 $0x2800, s13  }
0x8: {  	[smem:$0x7FF] =	sst s4;
	s7 =	sadd.s32 $0x4E4000, s1;
	s12 =	smul.u32 $0x50000, s13  }
0x9: {  	s14 =	sadd.s32 $0x768C00, s1;
	s23 =	sshll.u32 s13, $0x6;
	s5 =	smul.u32 $0x13880, s2  }
0xa: {  	_ =	strace $0x8000004A;
	s9 =	smul.u32 $0x28000, s2;
	s2 =	ssub.s32 $0x2, s2  }
0xb: {  	[dreg:$0x4] =	wrdreg s14;
	s20 =	sshrl.u32 s2, $0x1;
	s21 =	sshrl.u32 s12, $0x2  }
0xc: {  	s5 =	sadd.s32 s6, s5;
	s6 =	sadd.s32 $0x7BB400, s1;
	s8 =	sadd.s32 s8, s9  }
0xd: {  	s2 =	ssub.s32 s2, s20;
	s22 =	sadd.s32 s21, s3;
	s9 =	sor.u32 $0x1C09, s23  }
0xe: {  	s21 =	simm.s32 $0x1;
	s23 =	simm.s32 $0x5;
	s11 =	sshrl.u32 s5, $0x3  }
0xf: {  	s24 =	sshll.u32 s5, $0x4;
	s14 =	smax.u32 s2, $0x1;
	s15 =	sshrl.u32 s22, $0x3  }
.Ltmp0:
0x10: {  	s22 =	simm.s32 $0x3;
	s10 =	sadd.s32 s11, s1;
	(pc) =	sbr.rel .LBB2_1-.Ltmp0, $4  }
0x11: {  	s1 =	sadd.s32 s8, s1;
	s25 =	sadd.s32 s7, s11;
	s26 =	sadd.s32 s6, s24  }
0x12: {  	s24 =	simm.s32 $0x2;
	s10 =	sadd.s32 $0x4EDE00, s10;
	[dreg:$0x6] =	wrdreg s25  }
0x13: {  	[dreg:$0x7] =	wrdreg s26;
	s13 =	sadd.s32 $0x2000, s1;
	s25 =	simm.s32 $0x4  }
0x14: {  	s26 =	simm.s32 $0x6;
	s1 =	simm.s32 $0x0;
	[dreg:$0x5] =	wrdreg s10  }
.LBB2_9:
0x15: {  	_ =	swait.ge [sflag:s30], $0x1400  }
0x16: {  	[sflag:s30] =	ssyncset.done $0x0  }
0x17: {  	[sflag:s30] =	ssyncadd.s32 $0xFFFFEC00  }
0x18: {  	_ =	swait.ge [sflag:s31], $0x1400  }
0x19: {  	s1 =	sadd.s32 $0x1, s1;
	[sflag:s31] =	ssyncset.done $0x0  }
0x1a: {  	p0 =	sne.s32 s1, s14;
	[sflag:s31] =	ssyncadd.s32 $0xFFFFEC00  }
.Ltmp1:
0x1b: {  	[bflag:$0x0] =	sbarrier.arrive $0xFFFF;
	(pc) =	sbr.rel @!p0 .LBB2_10-.Ltmp1, $4  }
0x1c: {  	[hbm:s13], [sflag:s9] =	dma.local [spmem:s15], $0x2800  }
0x1d: {  	_ =	swait.ge [sflag:s16], $0x2800  }
0x1e: {  	[sflag:s16] =	ssyncset.done $0x0  }
0x1f: {  	[sflag:s16] =	ssyncadd.s32 $0xFFFFD800  }
.LBB2_1:
0x20: {  	s2 =	rddreg [dreg:$0x4]  }
0x21: {  	[spmem:s15], [sflag:s9] =	dma.local [hbm:s2], $0x2800  }
0x22: {  	_ =	swait.ge [sflag:s16], $0x2800  }
0x23: {  	[sflag:s16] =	ssyncset.done $0x0  }
0x24: {  	s11 =	rddreg [dreg:$0x5];
	[sflag:s16] =	ssyncadd.s32 $0xFFFFD800  }
0x25: {  	[tilespmem:s4], [sflag:$0x9] =	stream.linear.gather [hbm4b:s11+s4], $0x1388, $0x38;
	[tilespmem:$0x1A500] =	vst v63  }
0x26: {  	_ =	swait.ge [sflag:s16], $0x1388  }
0x27: {  	[sflag:s16] =	ssyncset.done $0x0  }
0x28: {  	[sflag:s16] =	ssyncadd.s32 $0xFFFFEC78  }
0x29: {  	[bflag:$0x0] =	sbarrier.arrive $0xFFFF  }
0x2a: {  	s12 =	rddreg [dreg:$0x6]  }
0x2b: {  	[tilespmem:s17], [sflag:$0x5] =	stream.linear.gather [hbm4b:s12+s4], $0x28, $0x38;
	[tilespmem:$0x1A500] =	vst v63  }
.Ltmp2:
0x2c: {  	_ = 	snop;
	(pc) =	sbr.rel .LBB2_2-.Ltmp2, $4  }
0x2d: {  	_ = 	snop  }
0x2e: {  	[tilespmem:s19], [sflag:$0x1] =	stream.indirect.gather [hbm4b:s0+s18], $0x80, s4, s18, $0xb8;
	[tilespmem:$0x1A500] =	vst v63  }
0x2f: {  	s8 =	simm.s32 $0x3D00;
	s2 =	simm.s32 $0x0;
	s20 =	rddreg [dreg:$0x7]  }
0x30: {  	[tilespmem:s8], [sflag:$0x3] =	stream.linear.gather [hbm4b:s20+s4], $0x1400, $0x38;
	[tilespmem:$0x1A500] =	vst v63  }
.LBB2_8:
0x31: {  	s2 =	sadd.s32 $0x1, s2  }
0x32: {  	p0 =	sne.s32 s2, $0x3F  }
.Ltmp3:
0x33: {  	_ = 	snop;
	(pc) =	sbr.rel @!p0 .LBB2_9-.Ltmp3, $1  }
0x34: {  	_ =	sdelay $0x3  }
.LBB2_2:
0x35: {  	s8 =	sshllo.u32 s2, $0x1  }
0x36: {  	p0 =	sgt.u32 s8, $0x7C  }
0x37: {  	p1 =	seq.s32 @!p0 s2, $0x0  }
0x38: {  	p1 =	por p1, p0  }
0x39: {  	s8 =	smul.u32 @!p0 $0x28, s8;
	s20 =	simm.s32 @!p1 $0x8  }
0x3a: {  	_ =	swait.ge @!p1 [sflag:s20], $0x1400  }
0x3b: {  	s10 =	sadd.s32 @!p0 s5, s8;
	[sflag:s20] =	ssyncset.done @!p1 $0x0  }
0x3c: {  	[sflag:s20] =	ssyncadd.s32 @!p1 $0xFFFFEC00;
	s20 =	sshrl.u32 @!p0 s10, $0x3  }
0x3d: {  	s11 =	simm.s32 @!p0 $0x0;
	s12 =	simm.s32 @!p0 $0x1480;
	s20 =	sadd.s32 @!p0 s7, s20  }
0x3e: {  	[tilespmem:s12], [sflag:$0x6] =	stream.linear.gather @!p0 [hbm4b:s20+s11], $0x28, $0x38;
	[tilespmem:$0x1A500] =	vst v63  }
0x3f: {  	s12 =	simm.s32 @!p0 $0x28;
	s20 =	simm.s32 @!p0 $0x2900  }
0x40: {  	[tilespmem:s20], [sflag:$0x2] =	stream.indirect.gather @!p0 [hbm4b:s0+s12], $0x80, s8, s12, $0xb8;
	[tilespmem:$0x1A500] =	vst v63  }
0x41: {  	s8 =	sshll.u32 @!p0 s10, $0x4  }
0x42: {  	s10 =	simm.s32 @!p0 $0x5100;
	s8 =	sadd.s32 @!p0 s6, s8  }
0x43: {  	[tilespmem:s10], [sflag:$0x4] =	stream.linear.gather @!p0 [hbm4b:s8+s11], $0x1400, $0x38;
	[tilespmem:$0x1A500] =	vst v63  }
0x44: {  	_ =	swait.ge [sflag:s21], $0x1400  }
0x45: {  	[sflag:s21] =	ssyncset.done $0x0  }
0x46: {  	[sflag:s21] =	ssyncadd.s32 $0xFFFFEC00  }
0x47: {  	_ =	swait.ge [sflag:s22], $0x1400  }
0x48: {  	[sflag:s22] =	ssyncset.done $0x0  }
0x49: {  	s20 =	simm.s32 $0x0;
	[sflag:s22] =	ssyncadd.s32 $0xFFFFEC00  }
0x4a: {  	v7 =	vld [tilespmem:s20+$0x3D00]  }
0x4b: {  	v11 =	vld [tilespmem:s20+$0x3D10]  }
0x4c: {  	v5 =	vld [tilespmem:s20+$0x3D20]  }
0x4d: {  	v4 =	vld [tilespmem:s20+$0x3D30]  }
0x4e: {  	v3 =	vld [tilespmem:s20+$0x3D40]  }
0x4f: {  	v2 =	vld [tilespmem:s20+$0x3D50]  }
0x50: {  	v1 =	vld [tilespmem:s20+$0x3D60]  }
0x51: {  	v0 =	vld [tilespmem:s20+$0x3D70]  }
0x52: {  	v12 =	vld [tilespmem:s20+$0x1500]  }
0x53: {  	v13 =	vld [tilespmem:s20+$0x1510]  }
0x54: {  	v10 =	vld [tilespmem:s20+$0x1520]  }
0x55: {  	v9 =	vld [tilespmem:s20+$0x1530]  }
0x56: {  	v8 =	vld [tilespmem:s20+$0x1540]  }
0x57: {  	v6 =	vld [tilespmem:s20+$0x1550];
	v12 =	vmul.f32 v7, v12  }
0x58: {  	s8 =	simm.s32 $0x200;
	v11 =	vmul.f32 v11, v13;
	v7 =	vld [tilespmem:s20+$0x1560]  }
.LBB2_3:
0x59: {  	s10 =	sshra.s32 s8, $0x2;
	p1 =	sne.s32 s8, $0x4E00;
	[tilespmem:s20+$0x1500] =	vst v12;
	v5 =	vmul.f32 v5, v10;
	v10 =	vld [tilespmem:s20+$0x1570]  }
0x5a: {  	v12 =	vld [tilespmem:s10+$0x3D00];
	[tilespmem:s20+$0x1510] =	vst v11;
	v4 =	vmul.f32 v4, v9  }
0x5b: {  	v11 =	vld [tilespmem:s10+$0x3D10];
	[tilespmem:s20+$0x1520] =	vst v5;
	v3 =	vmul.f32 v3, v8  }
0x5c: {  	v5 =	vld [tilespmem:s10+$0x3D20];
	[tilespmem:s20+$0x1530] =	vst v4;
	v2 =	vmul.f32 v2, v6  }
0x5d: {  	v4 =	vld [tilespmem:s10+$0x3D30];
	[tilespmem:s20+$0x1540] =	vst v3;
	v1 =	vmul.f32 v1, v7  }
0x5e: {  	v3 =	vld [tilespmem:s10+$0x3D40];
	[tilespmem:s20+$0x1550] =	vst v2;
	v0 =	vmul.f32 v0, v10  }
0x5f: {  	v2 =	vld [tilespmem:s10+$0x3D50];
	[tilespmem:s20+$0x1560] =	vst v1  }
0x60: {  	v1 =	vld [tilespmem:s10+$0x3D60];
	[tilespmem:s20+$0x1570] =	vst v0;
	s20 =	smov.u32 s10  }
0x61: {  	v0 =	vld [tilespmem:s20+$0x3D70]  }
0x62: {  	v6 =	vld [tilespmem:s20+$0x1500]  }
0x63: {  	v7 =	vld [tilespmem:s20+$0x1510]  }
.Ltmp4:
0x64: {  	v10 =	vld [tilespmem:s20+$0x1520];
	(pc) =	sbr.rel @p1 .LBB2_3-.Ltmp4, $4  }
0x65: {  	v9 =	vld [tilespmem:s20+$0x1530]  }
0x66: {  	v8 =	vld [tilespmem:s20+$0x1540]  }
0x67: {  	v12 =	vmul.f32 v12, v6;
	v6 =	vld [tilespmem:s20+$0x1550]  }
0x68: {  	s8 =	sadd.s32 $0x200, s8;
	v11 =	vmul.f32 v11, v7;
	v7 =	vld [tilespmem:s20+$0x1560]  }
0x69: {  	[tilespmem:s20+$0x1500] =	vst v12;
	v5 =	vmul.f32 v5, v10;
	v63 =	vld [tilespmem:s20+$0x1570]  }
0x6a: {  	[tilespmem:s20+$0x1510] =	vst v11;
	v4 =	vmul.f32 v4, v9  }
0x6b: {  	[tilespmem:s20+$0x1520] =	vst v5;
	v3 =	vmul.f32 v3, v8  }
0x6c: {  	[tilespmem:s20+$0x1530] =	vst v4;
	v2 =	vmul.f32 v2, v6  }
0x6d: {  	[tilespmem:s20+$0x1540] =	vst v3;
	v1 =	vmul.f32 v1, v7  }
0x6e: {  	[tilespmem:s20+$0x1550] =	vst v2;
	v0 =	vmul.f32 v0, v63  }
0x6f: {  	[tilespmem:s20+$0x1560] =	vst v1  }
0x70: {  	[tilespmem:s20+$0x1570] =	vst v0  }
0x71: {  	_ =	swait.ge [sflag:s23], $0x28  }
0x72: {  	p1 =	seq.s32 s2, $0x3E;
	[sflag:s23] =	ssyncset.done $0x0  }
0x73: {  	s8 =	smul.u32 @!p1 $0x50, s2;
	s10 =	simm.s32 @!p1 $0x7;
	[sflag:s23] =	ssyncadd.s32 $0xFFFFFFD8  }
0x74: {  	[spmem:s3] =	stream.indirect.scatter.add.f32 [tilespmem:s19], [sflag:$0x7], $0x80, s17, s18, $0xb8;
	[tilespmem:$0x1A500] =	vst v63  }
0x75: {  	s8 =	sadd.s32 @!p1 $0x50, s8;
	_ =	swait.ge @!p1 [sflag:s10], $0x1400  }
0x76: {  	s11 =	sadd.s32 @!p1 s5, s8;
	[sflag:s10] =	ssyncset.done @!p1 $0x0  }
0x77: {  	[sflag:s10] =	ssyncadd.s32 @!p1 $0xFFFFEC00;
	s10 =	sshrl.u32 @!p1 s11, $0x3  }
0x78: {  	s12 =	simm.s32 @!p1 $0x0;
	s20 =	simm.s32 @!p1 $0x1400;
	s10 =	sadd.s32 @!p1 s7, s10  }
0x79: {  	[tilespmem:s20], [sflag:$0x5] =	stream.linear.gather @!p1 [hbm4b:s10+s12], $0x28, $0x38;
	[tilespmem:$0x1A500] =	vst v63  }
.Ltmp5:
0x7a: {  	s10 =	simm.s32 @!p1 $0x28;
	s20 =	simm.s32 @!p1 $0x1500;
	(pc) =	sbr.rel @p0 .LBB2_8-.Ltmp5, $4  }
0x7b: {  	[tilespmem:s20], [sflag:$0x1] =	stream.indirect.gather @!p1 [hbm4b:s0+s10], $0x80, s8, s10, $0xb8;
	[tilespmem:$0x1A500] =	vst v63  }
0x7c: {  	s8 =	sshll.u32 @!p1 s11, $0x4  }
0x7d: {  	s10 =	simm.s32 @!p1 $0x3D00;
	s8 =	sadd.s32 @!p1 s6, s8  }
0x7e: {  	[tilespmem:s10], [sflag:$0x3] =	stream.linear.gather @!p1 [hbm4b:s8+s12], $0x1400, $0x38;
	[tilespmem:$0x1A500] =	vst v63  }
0x7f: {  	_ =	swait.ge [sflag:s24], $0x1400  }
0x80: {  	[sflag:s24] =	ssyncset.done $0x0  }
0x81: {  	[sflag:s24] =	ssyncadd.s32 $0xFFFFEC00  }
0x82: {  	_ =	swait.ge [sflag:s25], $0x1400  }
0x83: {  	[sflag:s25] =	ssyncset.done $0x0  }
0x84: {  	s20 =	simm.s32 $0x0;
	[sflag:s25] =	ssyncadd.s32 $0xFFFFEC00  }
0x85: {  	v7 =	vld [tilespmem:s20+$0x5100]  }
0x86: {  	v11 =	vld [tilespmem:s20+$0x5110]  }
0x87: {  	v5 =	vld [tilespmem:s20+$0x5120]  }
0x88: {  	v4 =	vld [tilespmem:s20+$0x5130]  }
0x89: {  	v3 =	vld [tilespmem:s20+$0x5140]  }
0x8a: {  	v2 =	vld [tilespmem:s20+$0x5150]  }
0x8b: {  	v1 =	vld [tilespmem:s20+$0x5160]  }
0x8c: {  	v0 =	vld [tilespmem:s20+$0x5170]  }
0x8d: {  	v12 =	vld [tilespmem:s20+$0x2900]  }
0x8e: {  	v13 =	vld [tilespmem:s20+$0x2910]  }
0x8f: {  	v10 =	vld [tilespmem:s20+$0x2920]  }
0x90: {  	v9 =	vld [tilespmem:s20+$0x2930]  }
0x91: {  	v8 =	vld [tilespmem:s20+$0x2940]  }
0x92: {  	v6 =	vld [tilespmem:s20+$0x2950];
	v12 =	vmul.f32 v7, v12  }
0x93: {  	s8 =	simm.s32 $0x200;
	v11 =	vmul.f32 v11, v13;
	v7 =	vld [tilespmem:s20+$0x2960]  }
.LBB2_6:
0x94: {  	s10 =	sshra.s32 s8, $0x2;
	p0 =	sne.s32 s8, $0x4E00;
	[tilespmem:s20+$0x2900] =	vst v12;
	v5 =	vmul.f32 v5, v10;
	v10 =	vld [tilespmem:s20+$0x2970]  }
0x95: {  	v12 =	vld [tilespmem:s10+$0x5100];
	[tilespmem:s20+$0x2910] =	vst v11;
	v4 =	vmul.f32 v4, v9  }
0x96: {  	v11 =	vld [tilespmem:s10+$0x5110];
	[tilespmem:s20+$0x2920] =	vst v5;
	v3 =	vmul.f32 v3, v8  }
0x97: {  	v5 =	vld [tilespmem:s10+$0x5120];
	[tilespmem:s20+$0x2930] =	vst v4;
	v2 =	vmul.f32 v2, v6  }
0x98: {  	v4 =	vld [tilespmem:s10+$0x5130];
	[tilespmem:s20+$0x2940] =	vst v3;
	v1 =	vmul.f32 v1, v7  }
0x99: {  	v3 =	vld [tilespmem:s10+$0x5140];
	[tilespmem:s20+$0x2950] =	vst v2;
	v0 =	vmul.f32 v0, v10  }
0x9a: {  	v2 =	vld [tilespmem:s10+$0x5150];
	[tilespmem:s20+$0x2960] =	vst v1  }
0x9b: {  	v1 =	vld [tilespmem:s10+$0x5160];
	[tilespmem:s20+$0x2970] =	vst v0;
	s20 =	smov.u32 s10  }
0x9c: {  	v0 =	vld [tilespmem:s20+$0x5170]  }
0x9d: {  	v6 =	vld [tilespmem:s20+$0x2900]  }
0x9e: {  	v7 =	vld [tilespmem:s20+$0x2910]  }
.Ltmp6:
0x9f: {  	v10 =	vld [tilespmem:s20+$0x2920];
	(pc) =	sbr.rel @p0 .LBB2_6-.Ltmp6, $4  }
0xa0: {  	v9 =	vld [tilespmem:s20+$0x2930]  }
0xa1: {  	v8 =	vld [tilespmem:s20+$0x2940]  }
0xa2: {  	v12 =	vmul.f32 v12, v6;
	v6 =	vld [tilespmem:s20+$0x2950]  }
0xa3: {  	s8 =	sadd.s32 $0x200, s8;
	v11 =	vmul.f32 v11, v7;
	v7 =	vld [tilespmem:s20+$0x2960]  }
0xa4: {  	[tilespmem:s20+$0x2900] =	vst v12;
	v5 =	vmul.f32 v5, v10;
	v63 =	vld [tilespmem:s20+$0x2970]  }
0xa5: {  	[tilespmem:s20+$0x2910] =	vst v11;
	v4 =	vmul.f32 v4, v9  }
0xa6: {  	[tilespmem:s20+$0x2920] =	vst v5;
	v3 =	vmul.f32 v3, v8  }
0xa7: {  	[tilespmem:s20+$0x2930] =	vst v4;
	v2 =	vmul.f32 v2, v6  }
0xa8: {  	[tilespmem:s20+$0x2940] =	vst v3;
	v1 =	vmul.f32 v1, v7  }
0xa9: {  	[tilespmem:s20+$0x2950] =	vst v2;
	v0 =	vmul.f32 v0, v63  }
0xaa: {  	[tilespmem:s20+$0x2960] =	vst v1  }
.Ltmp7:
0xab: {  	[tilespmem:s20+$0x2970] =	vst v0;
	(pc) =	sbr.rel .LBB2_8-.Ltmp7, $4  }
0xac: {  	_ =	swait.ge [sflag:s26], $0x28  }
0xad: {  	[sflag:s26] =	ssyncset.done $0x0  }
0xae: {  	[sflag:s26] =	ssyncadd.s32 $0xFFFFFFD8  }
0xaf: {  	[spmem:s3] =	stream.indirect.scatter.add.f32 [tilespmem:s29], [sflag:$0x8], $0x80, s28, s18, $0xb8;
	[tilespmem:$0x1A500] =	vst v63  }
.LBB2_10:
0xb0: {  	_ =	sfence.sel $0x180000  }
0xb1: {  	[bflag:$0x0] =	sbarrier.arrive $0xFFFF  }
0xb2: {  	_ =	strace $0x9000004A  }
0xb3: {  	s0 =	stileid.u32;
	[bflag:$0x2] =	sbarrier.arrive $0xFFFF  }
0xb4: {  	p0 =	sne.s32 s0, $0x0;
	s0 =	rddreg [dreg:$0x3]  }
0xb5: {  	s0 =	sadd.s32 @!p0 $0x100000, s0  }
0xb6: {  	[sflag:s0] =	ssyncadd.tile.s32 @!p0 $0x1;
	_ =	shalt  }
.Lfunc_end2:
_tile_overlayer_lowered:
.L_overlay_start_2:
0xb7: {  	(tag) =	ssettag $0x2  }
0xb8: {  	s0 =	rddreg [dreg:$0x0];
	s2 =	stileid.u32  }
0xb9: {  	s1 =	rddreg [dreg:$0x1];
	p0 =	sne.s32 s2, $0x0  }
0xba: {  	s3 =	rddreg [dreg:$0x2];
	[bflag:$0x3] =	sbarrier.arrive $0xFFFF;
	s2 =	simm.s32 @!p0 $0x1C09  }
0xbb: {  	[timem:s3], [sflag:s2] =	dma.local @!p0 [hbm:s0], s1  }
0xbc: {  	s0 =	simm.s32 @!p0 $0x9  }
0xbd: {  	_ =	swait.ge @!p0 [sflag:s0], s1  }
0xbe: {  	s1 =	ssub.s32 @!p0 $0x0, s1;
	[sflag:s0] =	ssyncset.done @!p0 $0x0  }
0xbf: {  	[sflag:s0] =	ssyncadd.s32 @!p0 s1  }
0xc0: {  	[bflag:$0x3] =	sbarrier.arrive $0xFFFF  }
0xc1: {  	_ =	shalt  }

</sc_bundles>
